<compile_context>
chip_gen: v7x
topology: tpu7x:2x2x1
jax: 0.10.2.dev20260603
libtpu: 0.0.44.dev20260713+nightly
codegen_flags: <defaults>
</compile_context>

<pallas_src>
import math

import jax
import jax.numpy as jnp
from jax import lax
from jax.experimental import pallas as pl
from jax.experimental.pallas import tpu as pltpu
from jax.experimental.pallas import tpu_sc as plsc

_NUM_TOKENS = 2048
_MODEL_DIM = 1024
_NUM_EXPERTS = 64
_CAPACITY = int(2 * math.ceil(_NUM_TOKENS / (_NUM_EXPERTS // 4)) * 1.0)
_CUMSUM_BLK = 128
_WRITE_BLK = 128

_NW = 32
_TPW = _NUM_TOKENS // _NW
_ROWS = _NUM_TOKENS * _NUM_EXPERTS
_RPW = _ROWS // _NW
_ZROWS = 128


def _routing_kernel(x_ref, w_ref, fsel_ref, gate_ref, laux_ref):
    x = x_ref[...]
    w = w_ref[...]
    logits = lax.dot_general(
        x, w, (((1,), (1,)), ((), ())), preferred_element_type=jnp.float32
    )
    col = lax.broadcasted_iota(jnp.int32, (_NUM_TOKENS, _NUM_EXPERTS), 1)
    logits = jnp.where(col == 0, jnp.float32(-1000000000.0), logits)
    m = jnp.max(logits, axis=1, keepdims=True)
    p = jnp.exp(logits - m)
    s = jnp.sum(p, axis=1, keepdims=True)
    gates = p / s

    gmax = jnp.max(gates, axis=1, keepdims=True)
    eidx = jnp.min(
        jnp.where(gates == gmax, col, _NUM_EXPERTS), axis=1, keepdims=True
    )
    m1 = jnp.where(col == eidx, jnp.float32(1.0), jnp.float32(0.0))

    nblk = _NUM_TOKENS // _CUMSUM_BLK
    r = lax.broadcasted_iota(jnp.int32, (_CUMSUM_BLK, _CUMSUM_BLK), 0)
    c = lax.broadcasted_iota(jnp.int32, (_CUMSUM_BLK, _CUMSUM_BLK), 1)
    ltri = jnp.where(r >= c, jnp.float32(1.0), jnp.float32(0.0))
    loc_blocks = []
    running = jnp.zeros((1, _NUM_EXPERTS), jnp.float32)
    for i in range(nblk):
        blk = m1[i * _CUMSUM_BLK:(i + 1) * _CUMSUM_BLK, :]
        within = lax.dot_general(
            ltri, blk, (((1,), (0,)), ((), ())),
            preferred_element_type=jnp.float32,
        )
        loc_blocks.append(within + running - 1.0)
        running = running + within[_CUMSUM_BLK - 1:_CUMSUM_BLK, :]
    loc = jnp.concatenate(loc_blocks, axis=0)

    loc_sel = jnp.sum(loc * m1, axis=1, keepdims=True)
    keep = loc_sel < jnp.float32(_CAPACITY)
    fsel = eidx * _CAPACITY + loc_sel.astype(jnp.int32)
    fsel_ref[...] = jnp.where(keep, fsel, jnp.int32(-1))
    gate_ref[...] = jnp.where(keep, gmax, jnp.float32(0.0))

    sg = jnp.sum(gates, axis=0, keepdims=True)
    sm = jnp.sum(m1, axis=0, keepdims=True)
    scale = (_NUM_EXPERTS * _NUM_EXPERTS) / (
        (_NUM_EXPERTS // 4) * float(_NUM_TOKENS) * float(_NUM_TOKENS)
    )
    laux_ref[...] = jnp.sum(sg * sm, axis=1, keepdims=True) * jnp.float32(scale)


def _write_kernel(fsel_ref, gate_ref, comb_ref):
    f = fsel_ref[...]
    g = gate_ref[...]
    shp = (_WRITE_BLK, _NUM_EXPERTS, _CAPACITY)
    ei = lax.broadcasted_iota(jnp.int32, shp, 1)
    ci = lax.broadcasted_iota(jnp.int32, shp, 2)
    fi = ei * _CAPACITY + ci
    comb_ref[...] = jnp.where(fi == f, g, jnp.float32(0.0))


def _sc_dispatch_body(fsel_hbm, pat_hbm, zsrc_hbm, out_hbm, zrow, fselv,
                      pativ, dstv, rowbuf, semz, semg, sems):
    w = lax.axis_index("s") * 2 + lax.axis_index("c")

    pltpu.sync_copy(zsrc_hbm, zrow)

    rbase = w * _RPW
    for k in range(_RPW // _ZROWS):
        pltpu.async_copy(
            zrow, out_hbm.at[pl.ds(rbase + k * _ZROWS, _ZROWS)], semz
        )

    tbase = w * _TPW
    pltpu.sync_copy(fsel_hbm.at[pl.ds(tbase, _TPW)], fselv)
    for k in range(_TPW // 16):
        f = fselv[pl.ds(k * 16, 16)]
        kept = f >= 0
        cpos = f & (_CAPACITY - 1)
        epos = f >> 8
        pativ[pl.ds(k * 16, 16)] = jnp.where(kept, cpos, _CAPACITY)
        tok = tbase + k * 16 + lax.iota(jnp.int32, 16)
        dstv[pl.ds(k * 16, 16)] = (
            tok * _NUM_EXPERTS + jnp.where(kept, epos, 0)
        )

    pltpu.async_copy(pat_hbm.at[pativ], rowbuf, semg).wait()

    for k in range(_RPW // _ZROWS):
        pltpu.make_async_copy(
            zrow, out_hbm.at[pl.ds(rbase + k * _ZROWS, _ZROWS)], semz
        ).wait()
    pltpu.async_copy(rowbuf, out_hbm.at[dstv], sems).wait()


def _sc_dispatch(fsel1d, pat, zsrc):
    mesh = plsc.VectorSubcoreMesh(core_axis_name="c", subcore_axis_name="s")
    return pl.kernel(
        _sc_dispatch_body,
        out_type=jax.ShapeDtypeStruct((_ROWS, _CAPACITY), jnp.bool_),
        mesh=mesh,
        scratch_types=[
            pltpu.VMEM((_ZROWS, _CAPACITY), jnp.bool_),
            pltpu.VMEM((_TPW,), jnp.int32),
            pltpu.VMEM((_TPW,), jnp.int32),
            pltpu.VMEM((_TPW,), jnp.int32),
            pltpu.VMEM((_TPW, _CAPACITY), jnp.bool_),
            pltpu.SemaphoreType.DMA,
            pltpu.SemaphoreType.DMA,
            pltpu.SemaphoreType.DMA,
        ],
    )(fsel1d, pat, zsrc)


def kernel(input2, W2):
    fsel, gate, laux = pl.pallas_call(
        _routing_kernel,
        out_shape=[
            jax.ShapeDtypeStruct((_NUM_TOKENS, 1), jnp.int32),
            jax.ShapeDtypeStruct((_NUM_TOKENS, 1), jnp.float32),
            jax.ShapeDtypeStruct((1, 1), jnp.float32),
        ],
    )(input2, W2)

    fsel3 = fsel.reshape(_NUM_TOKENS, 1, 1)
    gate3 = gate.reshape(_NUM_TOKENS, 1, 1)
    nblk = _NUM_TOKENS // _WRITE_BLK
    combine = pl.pallas_call(
        _write_kernel,
        grid=(nblk,),
        in_specs=[
            pl.BlockSpec((_WRITE_BLK, 1, 1), lambda i: (i, 0, 0)),
            pl.BlockSpec((_WRITE_BLK, 1, 1), lambda i: (i, 0, 0)),
        ],
        out_specs=[
            pl.BlockSpec((_WRITE_BLK, _NUM_EXPERTS, _CAPACITY),
                         lambda i: (i, 0, 0)),
        ],
        out_shape=[
            jax.ShapeDtypeStruct((_NUM_TOKENS, _NUM_EXPERTS, _CAPACITY),
                                 jnp.float32),
        ],
    )(fsel3, gate3)[0]

    pat = jnp.concatenate(
        [jnp.eye(_CAPACITY, dtype=jnp.bool_),
         jnp.zeros((8, _CAPACITY), jnp.bool_)], axis=0
    )
    zsrc = jnp.zeros((_ZROWS, _CAPACITY), jnp.bool_)
    dispatch = _sc_dispatch(fsel.reshape(_NUM_TOKENS), pat, zsrc)
    dispatch = dispatch.reshape(_NUM_TOKENS, _NUM_EXPERTS, _CAPACITY)

    return (laux.reshape(()), combine, dispatch)

# --- scband reference (transcript-rebuilt; emitter-appended) ---
"""Pipeline reference for scband-htop1-gate-57062935495438 (READ-ONLY COPY).

The authoritative reference and input builder live on the scoring server;
editing this copy changes nothing except your own understanding.
"""

import jax, jax.numpy as jnp
import numpy as np
import math

MODEL_DIM = 1024
NUM_EXPERTS = 64
NUM_TOKENS = 2048
CAPACITY_FACTOR = 1.0


def setup_inputs(seed: int = 0) -> dict:
    key = jax.random.key(seed)
    k1, k2 = jax.random.split(key)
    input2 = jax.random.normal(k1, (NUM_TOKENS, MODEL_DIM), dtype=jnp.float32)
    # wg2 linear weight, torch Linear stores [out_features, in_features]
    W2 = jax.random.normal(k2, (NUM_EXPERTS, MODEL_DIM), dtype=jnp.float32) * (1.0 / math.sqrt(MODEL_DIM))
    return {"input2": input2, "W2": W2}


def reference(input2, W2):
    # forward path with input1=None: logits = wg2(input2).float(); mask column 0; softmax
    logits = (input2 @ W2.T).astype(jnp.float32)
    col0_mask = jnp.zeros(logits.shape, dtype=bool).at[:, 0].set(True)
    logits = jnp.where(col0_mask, jnp.float32(-1000000000.0), logits)
    gates = jax.nn.softmax(logits, axis=1)

    # htop1gating (training mode, batch_prioritized_routing=False, no input_mask)
    num_tokens, num_experts = gates.shape
    num_2nd_experts = num_experts // 4
    capacity = int(2 * math.ceil(num_tokens / num_2nd_experts) * CAPACITY_FACTOR)

    indices1_s = jnp.argmax(gates, axis=1)
    mask1 = jax.nn.one_hot(indices1_s, num_experts, dtype=jnp.int32)

    gates1_s = (gates * mask1.astype(gates.dtype)).sum(axis=1)
    locations1 = jnp.cumsum(mask1, axis=0) - 1

    me = jnp.mean(gates, axis=0)
    ce = jnp.mean(mask1.astype(gates.dtype), axis=0)
    l_aux = jnp.sum(me * ce) / num_2nd_experts
    l_aux = l_aux * num_experts * num_experts

    mask1 = mask1 * (locations1 < capacity).astype(mask1.dtype)
    locations1_s = jnp.sum(locations1 * mask1, axis=1)
    gates1 = gates1_s[:, None] * mask1.astype(gates1_s.dtype)
    locations1_sc = jax.nn.one_hot(locations1_s, capacity, dtype=gates1.dtype)
    # combine1_sec = bmm(gates1[:, :, None], locations1_sc[:, None, :])
    combine1_sec = jnp.einsum('se,sc->sec', gates1, locations1_sc)
    dispatch_mask = combine1_sec.astype(bool)
    return (l_aux, combine1_sec, dispatch_mask)

if __name__ == "__main__":
    import jax
    _d = setup_inputs()
    print(jax.jit(kernel)(*tuple(_d.values())))

</pallas_src>

<mosaic_0001>
#map = affine_map<(d0, d1) -> (0)>
#map1 = affine_map<(d0, d1) -> (0, 0)>
module attributes {stable_mosaic.version = 14 : i64} {
  func.func @_sc_dispatch_body(%arg0: i32, %arg1: i32, %arg2: memref<2048xi32, #tpu.memory_space<hbm>>, %arg3: memref<264x256xi32, #tpu.memory_space<hbm>>, %arg4: memref<128x256xi32, #tpu.memory_space<hbm>>, %arg5: memref<131072x256xi32, #tpu.memory_space<hbm>>, %arg6: memref<128x256xi32, #tpu.memory_space<vmem>>, %arg7: memref<64xi32, #tpu.memory_space<vmem>>, %arg8: memref<64xi32, #tpu.memory_space<vmem>>, %arg9: memref<64xi32, #tpu.memory_space<vmem>>, %arg10: memref<64x256xi32, #tpu.memory_space<vmem>>, %arg11: memref<!tpu.dma_semaphore, #tpu.memory_space<semaphore_mem>>, %arg12: memref<!tpu.dma_semaphore, #tpu.memory_space<semaphore_mem>>, %arg13: memref<!tpu.dma_semaphore, #tpu.memory_space<semaphore_mem>>) attributes {dimension_semantics = [#tpu.dimension_semantics<core_parallel>, #tpu.dimension_semantics<subcore_parallel>], iteration_bounds = array<i64: 2, 16>, scalar_prefetch = 0 : i64, scratch_operands = 8 : i64, tpu.core_type = #tpu.core_type<sc_vector_subcore>, window_params = [{transform_indices = #map}, {transform_indices = #map1}, {transform_indices = #map1}, {transform_indices = #map1}]} {
    %mul3A = arith.constant 2 : i32
    %mul3A_0 = arith.muli %arg1, %mul3A : i32
    %add3A = arith.addi %mul3A_0, %arg0 : i32
    "tpu.region"() ({
      %run_scoped3A = tpu.sem_alloc : memref<!tpu.dma_semaphore, #tpu.memory_space<semaphore_mem>>
      tpu.enqueue_dma source(%arg4 : memref<128x256xi32, #tpu.memory_space<hbm>>) target(%arg6 : memref<128x256xi32, #tpu.memory_space<vmem>>) target_semaphore(%run_scoped3A : memref<!tpu.dma_semaphore, #tpu.memory_space<semaphore_mem>>)
      tpu.wait_dma2 semaphore(%run_scoped3A : memref<!tpu.dma_semaphore, #tpu.memory_space<semaphore_mem>>) src(%arg4 : memref<128x256xi32, #tpu.memory_space<hbm>>) dst(%arg6 : memref<128x256xi32, #tpu.memory_space<vmem>>)
      tpu.yield
    }) : () -> ()
    %mul3A_1 = arith.constant 4096 : i32
    %mul3A_2 = arith.muli %add3A, %mul3A_1 : i32
    %add3A_3 = arith.constant 0 : i32
    %add3A_4 = arith.addi %mul3A_2, %add3A_3 : i32
    %dma_start3A = arith.constant 0 : i32
    %dma_start3A_5 = tpu.memref_slice %arg5[%add3A_4, %dma_start3A] : memref<131072x256xi32, #tpu.memory_space<hbm>> -> memref<128x256xi32, #tpu.memory_space<hbm>>
    %dma_start3A_6 = arith.constant 0 : i32
    %dma_start3A_7 = tpu.memref_slice %arg5[%add3A_4, %dma_start3A_6] : memref<131072x256xi32, #tpu.memory_space<hbm>> -> memref<128x256xi32, #tpu.memory_space<hbm>>
    tpu.enqueue_dma source(%arg6 : memref<128x256xi32, #tpu.memory_space<vmem>>) target(%dma_start3A_7 : memref<128x256xi32, #tpu.memory_space<hbm>>) target_semaphore(%arg11 : memref<!tpu.dma_semaphore, #tpu.memory_space<semaphore_mem>>)
    %add3A_8 = arith.constant 128 : i32
    %add3A_9 = arith.addi %mul3A_2, %add3A_8 : i32
    %dma_start3A_10 = arith.constant 0 : i32
    %dma_start3A_11 = tpu.memref_slice %arg5[%add3A_9, %dma_start3A_10] : memref<131072x256xi32, #tpu.memory_space<hbm>> -> memref<128x256xi32, #tpu.memory_space<hbm>>
    %dma_start3A_12 = arith.constant 0 : i32
    %dma_start3A_13 = tpu.memref_slice %arg5[%add3A_9, %dma_start3A_12] : memref<131072x256xi32, #tpu.memory_space<hbm>> -> memref<128x256xi32, #tpu.memory_space<hbm>>
    tpu.enqueue_dma source(%arg6 : memref<128x256xi32, #tpu.memory_space<vmem>>) target(%dma_start3A_13 : memref<128x256xi32, #tpu.memory_space<hbm>>) target_semaphore(%arg11 : memref<!tpu.dma_semaphore, #tpu.memory_space<semaphore_mem>>)
    %add3A_14 = arith.constant 256 : i32
    %add3A_15 = arith.addi %mul3A_2, %add3A_14 : i32
    %dma_start3A_16 = arith.constant 0 : i32
    %dma_start3A_17 = tpu.memref_slice %arg5[%add3A_15, %dma_start3A_16] : memref<131072x256xi32, #tpu.memory_space<hbm>> -> memref<128x256xi32, #tpu.memory_space<hbm>>
    %dma_start3A_18 = arith.constant 0 : i32
    %dma_start3A_19 = tpu.memref_slice %arg5[%add3A_15, %dma_start3A_18] : memref<131072x256xi32, #tpu.memory_space<hbm>> -> memref<128x256xi32, #tpu.memory_space<hbm>>
    tpu.enqueue_dma source(%arg6 : memref<128x256xi32, #tpu.memory_space<vmem>>) target(%dma_start3A_19 : memref<128x256xi32, #tpu.memory_space<hbm>>) target_semaphore(%arg11 : memref<!tpu.dma_semaphore, #tpu.memory_space<semaphore_mem>>)
    %add3A_20 = arith.constant 384 : i32
    %add3A_21 = arith.addi %mul3A_2, %add3A_20 : i32
    %dma_start3A_22 = arith.constant 0 : i32
    %dma_start3A_23 = tpu.memref_slice %arg5[%add3A_21, %dma_start3A_22] : memref<131072x256xi32, #tpu.memory_space<hbm>> -> memref<128x256xi32, #tpu.memory_space<hbm>>
    %dma_start3A_24 = arith.constant 0 : i32
    %dma_start3A_25 = tpu.memref_slice %arg5[%add3A_21, %dma_start3A_24] : memref<131072x256xi32, #tpu.memory_space<hbm>> -> memref<128x256xi32, #tpu.memory_space<hbm>>
    tpu.enqueue_dma source(%arg6 : memref<128x256xi32, #tpu.memory_space<vmem>>) target(%dma_start3A_25 : memref<128x256xi32, #tpu.memory_space<hbm>>) target_semaphore(%arg11 : memref<!tpu.dma_semaphore, #tpu.memory_space<semaphore_mem>>)
    %add3A_26 = arith.constant 512 : i32
    %add3A_27 = arith.addi %mul3A_2, %add3A_26 : i32
    %dma_start3A_28 = arith.constant 0 : i32
    %dma_start3A_29 = tpu.memref_slice %arg5[%add3A_27, %dma_start3A_28] : memref<131072x256xi32, #tpu.memory_space<hbm>> -> memref<128x256xi32, #tpu.memory_space<hbm>>
    %dma_start3A_30 = arith.constant 0 : i32
    %dma_start3A_31 = tpu.memref_slice %arg5[%add3A_27, %dma_start3A_30] : memref<131072x256xi32, #tpu.memory_space<hbm>> -> memref<128x256xi32, #tpu.memory_space<hbm>>
    tpu.enqueue_dma source(%arg6 : memref<128x256xi32, #tpu.memory_space<vmem>>) target(%dma_start3A_31 : memref<128x256xi32, #tpu.memory_space<hbm>>) target_semaphore(%arg11 : memref<!tpu.dma_semaphore, #tpu.memory_space<semaphore_mem>>)
    %add3A_32 = arith.constant 640 : i32
    %add3A_33 = arith.addi %mul3A_2, %add3A_32 : i32
    %dma_start3A_34 = arith.constant 0 : i32
    %dma_start3A_35 = tpu.memref_slice %arg5[%add3A_33, %dma_start3A_34] : memref<131072x256xi32, #tpu.memory_space<hbm>> -> memref<128x256xi32, #tpu.memory_space<hbm>>
    %dma_start3A_36 = arith.constant 0 : i32
    %dma_start3A_37 = tpu.memref_slice %arg5[%add3A_33, %dma_start3A_36] : memref<131072x256xi32, #tpu.memory_space<hbm>> -> memref<128x256xi32, #tpu.memory_space<hbm>>
    tpu.enqueue_dma source(%arg6 : memref<128x256xi32, #tpu.memory_space<vmem>>) target(%dma_start3A_37 : memref<128x256xi32, #tpu.memory_space<hbm>>) target_semaphore(%arg11 : memref<!tpu.dma_semaphore, #tpu.memory_space<semaphore_mem>>)
    %add3A_38 = arith.constant 768 : i32
    %add3A_39 = arith.addi %mul3A_2, %add3A_38 : i32
    %dma_start3A_40 = arith.constant 0 : i32
    %dma_start3A_41 = tpu.memref_slice %arg5[%add3A_39, %dma_start3A_40] : memref<131072x256xi32, #tpu.memory_space<hbm>> -> memref<128x256xi32, #tpu.memory_space<hbm>>
    %dma_start3A_42 = arith.constant 0 : i32
    %dma_start3A_43 = tpu.memref_slice %arg5[%add3A_39, %dma_start3A_42] : memref<131072x256xi32, #tpu.memory_space<hbm>> -> memref<128x256xi32, #tpu.memory_space<hbm>>
    tpu.enqueue_dma source(%arg6 : memref<128x256xi32, #tpu.memory_space<vmem>>) target(%dma_start3A_43 : memref<128x256xi32, #tpu.memory_space<hbm>>) target_semaphore(%arg11 : memref<!tpu.dma_semaphore, #tpu.memory_space<semaphore_mem>>)
    %add3A_44 = arith.constant 896 : i32
    %add3A_45 = arith.addi %mul3A_2, %add3A_44 : i32
    %dma_start3A_46 = arith.constant 0 : i32
    %dma_start3A_47 = tpu.memref_slice %arg5[%add3A_45, %dma_start3A_46] : memref<131072x256xi32, #tpu.memory_space<hbm>> -> memref<128x256xi32, #tpu.memory_space<hbm>>
    %dma_start3A_48 = arith.constant 0 : i32
    %dma_start3A_49 = tpu.memref_slice %arg5[%add3A_45, %dma_start3A_48] : memref<131072x256xi32, #tpu.memory_space<hbm>> -> memref<128x256xi32, #tpu.memory_space<hbm>>
    tpu.enqueue_dma source(%arg6 : memref<128x256xi32, #tpu.memory_space<vmem>>) target(%dma_start3A_49 : memref<128x256xi32, #tpu.memory_space<hbm>>) target_semaphore(%arg11 : memref<!tpu.dma_semaphore, #tpu.memory_space<semaphore_mem>>)
    %add3A_50 = arith.constant 1024 : i32
    %add3A_51 = arith.addi %mul3A_2, %add3A_50 : i32
    %dma_start3A_52 = arith.constant 0 : i32
    %dma_start3A_53 = tpu.memref_slice %arg5[%add3A_51, %dma_start3A_52] : memref<131072x256xi32, #tpu.memory_space<hbm>> -> memref<128x256xi32, #tpu.memory_space<hbm>>
    %dma_start3A_54 = arith.constant 0 : i32
    %dma_start3A_55 = tpu.memref_slice %arg5[%add3A_51, %dma_start3A_54] : memref<131072x256xi32, #tpu.memory_space<hbm>> -> memref<128x256xi32, #tpu.memory_space<hbm>>
    tpu.enqueue_dma source(%arg6 : memref<128x256xi32, #tpu.memory_space<vmem>>) target(%dma_start3A_55 : memref<128x256xi32, #tpu.memory_space<hbm>>) target_semaphore(%arg11 : memref<!tpu.dma_semaphore, #tpu.memory_space<semaphore_mem>>)
    %add3A_56 = arith.constant 1152 : i32
    %add3A_57 = arith.addi %mul3A_2, %add3A_56 : i32
    %dma_start3A_58 = arith.constant 0 : i32
    %dma_start3A_59 = tpu.memref_slice %arg5[%add3A_57, %dma_start3A_58] : memref<131072x256xi32, #tpu.memory_space<hbm>> -> memref<128x256xi32, #tpu.memory_space<hbm>>
    %dma_start3A_60 = arith.constant 0 : i32
    %dma_start3A_61 = tpu.memref_slice %arg5[%add3A_57, %dma_start3A_60] : memref<131072x256xi32, #tpu.memory_space<hbm>> -> memref<128x256xi32, #tpu.memory_space<hbm>>
    tpu.enqueue_dma source(%arg6 : memref<128x256xi32, #tpu.memory_space<vmem>>) target(%dma_start3A_61 : memref<128x256xi32, #tpu.memory_space<hbm>>) target_semaphore(%arg11 : memref<!tpu.dma_semaphore, #tpu.memory_space<semaphore_mem>>)
    %add3A_62 = arith.constant 1280 : i32
    %add3A_63 = arith.addi %mul3A_2, %add3A_62 : i32
    %dma_start3A_64 = arith.constant 0 : i32
    %dma_start3A_65 = tpu.memref_slice %arg5[%add3A_63, %dma_start3A_64] : memref<131072x256xi32, #tpu.memory_space<hbm>> -> memref<128x256xi32, #tpu.memory_space<hbm>>
    %dma_start3A_66 = arith.constant 0 : i32
    %dma_start3A_67 = tpu.memref_slice %arg5[%add3A_63, %dma_start3A_66] : memref<131072x256xi32, #tpu.memory_space<hbm>> -> memref<128x256xi32, #tpu.memory_space<hbm>>
    tpu.enqueue_dma source(%arg6 : memref<128x256xi32, #tpu.memory_space<vmem>>) target(%dma_start3A_67 : memref<128x256xi32, #tpu.memory_space<hbm>>) target_semaphore(%arg11 : memref<!tpu.dma_semaphore, #tpu.memory_space<semaphore_mem>>)
    %add3A_68 = arith.constant 1408 : i32
    %add3A_69 = arith.addi %mul3A_2, %add3A_68 : i32
    %dma_start3A_70 = arith.constant 0 : i32
    %dma_start3A_71 = tpu.memref_slice %arg5[%add3A_69, %dma_start3A_70] : memref<131072x256xi32, #tpu.memory_space<hbm>> -> memref<128x256xi32, #tpu.memory_space<hbm>>
    %dma_start3A_72 = arith.constant 0 : i32
    %dma_start3A_73 = tpu.memref_slice %arg5[%add3A_69, %dma_start3A_72] : memref<131072x256xi32, #tpu.memory_space<hbm>> -> memref<128x256xi32, #tpu.memory_space<hbm>>
    tpu.enqueue_dma source(%arg6 : memref<128x256xi32, #tpu.memory_space<vmem>>) target(%dma_start3A_73 : memref<128x256xi32, #tpu.memory_space<hbm>>) target_semaphore(%arg11 : memref<!tpu.dma_semaphore, #tpu.memory_space<semaphore_mem>>)
    %add3A_74 = arith.constant 1536 : i32
    %add3A_75 = arith.addi %mul3A_2, %add3A_74 : i32
    %dma_start3A_76 = arith.constant 0 : i32
    %dma_start3A_77 = tpu.memref_slice %arg5[%add3A_75, %dma_start3A_76] : memref<131072x256xi32, #tpu.memory_space<hbm>> -> memref<128x256xi32, #tpu.memory_space<hbm>>
    %dma_start3A_78 = arith.constant 0 : i32
    %dma_start3A_79 = tpu.memref_slice %arg5[%add3A_75, %dma_start3A_78] : memref<131072x256xi32, #tpu.memory_space<hbm>> -> memref<128x256xi32, #tpu.memory_space<hbm>>
    tpu.enqueue_dma source(%arg6 : memref<128x256xi32, #tpu.memory_space<vmem>>) target(%dma_start3A_79 : memref<128x256xi32, #tpu.memory_space<hbm>>) target_semaphore(%arg11 : memref<!tpu.dma_semaphore, #tpu.memory_space<semaphore_mem>>)
    %add3A_80 = arith.constant 1664 : i32
    %add3A_81 = arith.addi %mul3A_2, %add3A_80 : i32
    %dma_start3A_82 = arith.constant 0 : i32
    %dma_start3A_83 = tpu.memref_slice %arg5[%add3A_81, %dma_start3A_82] : memref<131072x256xi32, #tpu.memory_space<hbm>> -> memref<128x256xi32, #tpu.memory_space<hbm>>
    %dma_start3A_84 = arith.constant 0 : i32
    %dma_start3A_85 = tpu.memref_slice %arg5[%add3A_81, %dma_start3A_84] : memref<131072x256xi32, #tpu.memory_space<hbm>> -> memref<128x256xi32, #tpu.memory_space<hbm>>
    tpu.enqueue_dma source(%arg6 : memref<128x256xi32, #tpu.memory_space<vmem>>) target(%dma_start3A_85 : memref<128x256xi32, #tpu.memory_space<hbm>>) target_semaphore(%arg11 : memref<!tpu.dma_semaphore, #tpu.memory_space<semaphore_mem>>)
    %add3A_86 = arith.constant 1792 : i32
    %add3A_87 = arith.addi %mul3A_2, %add3A_86 : i32
    %dma_start3A_88 = arith.constant 0 : i32
    %dma_start3A_89 = tpu.memref_slice %arg5[%add3A_87, %dma_start3A_88] : memref<131072x256xi32, #tpu.memory_space<hbm>> -> memref<128x256xi32, #tpu.memory_space<hbm>>
    %dma_start3A_90 = arith.constant 0 : i32
    %dma_start3A_91 = tpu.memref_slice %arg5[%add3A_87, %dma_start3A_90] : memref<131072x256xi32, #tpu.memory_space<hbm>> -> memref<128x256xi32, #tpu.memory_space<hbm>>
    tpu.enqueue_dma source(%arg6 : memref<128x256xi32, #tpu.memory_space<vmem>>) target(%dma_start3A_91 : memref<128x256xi32, #tpu.memory_space<hbm>>) target_semaphore(%arg11 : memref<!tpu.dma_semaphore, #tpu.memory_space<semaphore_mem>>)
    %add3A_92 = arith.constant 1920 : i32
    %add3A_93 = arith.addi %mul3A_2, %add3A_92 : i32
    %dma_start3A_94 = arith.constant 0 : i32
    %dma_start3A_95 = tpu.memref_slice %arg5[%add3A_93, %dma_start3A_94] : memref<131072x256xi32, #tpu.memory_space<hbm>> -> memref<128x256xi32, #tpu.memory_space<hbm>>
    %dma_start3A_96 = arith.constant 0 : i32
    %dma_start3A_97 = tpu.memref_slice %arg5[%add3A_93, %dma_start3A_96] : memref<131072x256xi32, #tpu.memory_space<hbm>> -> memref<128x256xi32, #tpu.memory_space<hbm>>
    tpu.enqueue_dma source(%arg6 : memref<128x256xi32, #tpu.memory_space<vmem>>) target(%dma_start3A_97 : memref<128x256xi32, #tpu.memory_space<hbm>>) target_semaphore(%arg11 : memref<!tpu.dma_semaphore, #tpu.memory_space<semaphore_mem>>)
    %add3A_98 = arith.constant 2048 : i32
    %add3A_99 = arith.addi %mul3A_2, %add3A_98 : i32
    %dma_start3A_100 = arith.constant 0 : i32
    %dma_start3A_101 = tpu.memref_slice %arg5[%add3A_99, %dma_start3A_100] : memref<131072x256xi32, #tpu.memory_space<hbm>> -> memref<128x256xi32, #tpu.memory_space<hbm>>
    %dma_start3A_102 = arith.constant 0 : i32
    %dma_start3A_103 = tpu.memref_slice %arg5[%add3A_99, %dma_start3A_102] : memref<131072x256xi32, #tpu.memory_space<hbm>> -> memref<128x256xi32, #tpu.memory_space<hbm>>
    tpu.enqueue_dma source(%arg6 : memref<128x256xi32, #tpu.memory_space<vmem>>) target(%dma_start3A_103 : memref<128x256xi32, #tpu.memory_space<hbm>>) target_semaphore(%arg11 : memref<!tpu.dma_semaphore, #tpu.memory_space<semaphore_mem>>)
    %add3A_104 = arith.constant 2176 : i32
    %add3A_105 = arith.addi %mul3A_2, %add3A_104 : i32
    %dma_start3A_106 = arith.constant 0 : i32
    %dma_start3A_107 = tpu.memref_slice %arg5[%add3A_105, %dma_start3A_106] : memref<131072x256xi32, #tpu.memory_space<hbm>> -> memref<128x256xi32, #tpu.memory_space<hbm>>
    %dma_start3A_108 = arith.constant 0 : i32
    %dma_start3A_109 = tpu.memref_slice %arg5[%add3A_105, %dma_start3A_108] : memref<131072x256xi32, #tpu.memory_space<hbm>> -> memref<128x256xi32, #tpu.memory_space<hbm>>
    tpu.enqueue_dma source(%arg6 : memref<128x256xi32, #tpu.memory_space<vmem>>) target(%dma_start3A_109 : memref<128x256xi32, #tpu.memory_space<hbm>>) target_semaphore(%arg11 : memref<!tpu.dma_semaphore, #tpu.memory_space<semaphore_mem>>)
    %add3A_110 = arith.constant 2304 : i32
    %add3A_111 = arith.addi %mul3A_2, %add3A_110 : i32
    %dma_start3A_112 = arith.constant 0 : i32
    %dma_start3A_113 = tpu.memref_slice %arg5[%add3A_111, %dma_start3A_112] : memref<131072x256xi32, #tpu.memory_space<hbm>> -> memref<128x256xi32, #tpu.memory_space<hbm>>
    %dma_start3A_114 = arith.constant 0 : i32
    %dma_start3A_115 = tpu.memref_slice %arg5[%add3A_111, %dma_start3A_114] : memref<131072x256xi32, #tpu.memory_space<hbm>> -> memref<128x256xi32, #tpu.memory_space<hbm>>
    tpu.enqueue_dma source(%arg6 : memref<128x256xi32, #tpu.memory_space<vmem>>) target(%dma_start3A_115 : memref<128x256xi32, #tpu.memory_space<hbm>>) target_semaphore(%arg11 : memref<!tpu.dma_semaphore, #tpu.memory_space<semaphore_mem>>)
    %add3A_116 = arith.constant 2432 : i32
    %add3A_117 = arith.addi %mul3A_2, %add3A_116 : i32
    %dma_start3A_118 = arith.constant 0 : i32
    %dma_start3A_119 = tpu.memref_slice %arg5[%add3A_117, %dma_start3A_118] : memref<131072x256xi32, #tpu.memory_space<hbm>> -> memref<128x256xi32, #tpu.memory_space<hbm>>
    %dma_start3A_120 = arith.constant 0 : i32
    %dma_start3A_121 = tpu.memref_slice %arg5[%add3A_117, %dma_start3A_120] : memref<131072x256xi32, #tpu.memory_space<hbm>> -> memref<128x256xi32, #tpu.memory_space<hbm>>
    tpu.enqueue_dma source(%arg6 : memref<128x256xi32, #tpu.memory_space<vmem>>) target(%dma_start3A_121 : memref<128x256xi32, #tpu.memory_space<hbm>>) target_semaphore(%arg11 : memref<!tpu.dma_semaphore, #tpu.memory_space<semaphore_mem>>)
    %add3A_122 = arith.constant 2560 : i32
    %add3A_123 = arith.addi %mul3A_2, %add3A_122 : i32
    %dma_start3A_124 = arith.constant 0 : i32
    %dma_start3A_125 = tpu.memref_slice %arg5[%add3A_123, %dma_start3A_124] : memref<131072x256xi32, #tpu.memory_space<hbm>> -> memref<128x256xi32, #tpu.memory_space<hbm>>
    %dma_start3A_126 = arith.constant 0 : i32
    %dma_start3A_127 = tpu.memref_slice %arg5[%add3A_123, %dma_start3A_126] : memref<131072x256xi32, #tpu.memory_space<hbm>> -> memref<128x256xi32, #tpu.memory_space<hbm>>
    tpu.enqueue_dma source(%arg6 : memref<128x256xi32, #tpu.memory_space<vmem>>) target(%dma_start3A_127 : memref<128x256xi32, #tpu.memory_space<hbm>>) target_semaphore(%arg11 : memref<!tpu.dma_semaphore, #tpu.memory_space<semaphore_mem>>)
    %add3A_128 = arith.constant 2688 : i32
    %add3A_129 = arith.addi %mul3A_2, %add3A_128 : i32
    %dma_start3A_130 = arith.constant 0 : i32
    %dma_start3A_131 = tpu.memref_slice %arg5[%add3A_129, %dma_start3A_130] : memref<131072x256xi32, #tpu.memory_space<hbm>> -> memref<128x256xi32, #tpu.memory_space<hbm>>
    %dma_start3A_132 = arith.constant 0 : i32
    %dma_start3A_133 = tpu.memref_slice %arg5[%add3A_129, %dma_start3A_132] : memref<131072x256xi32, #tpu.memory_space<hbm>> -> memref<128x256xi32, #tpu.memory_space<hbm>>
    tpu.enqueue_dma source(%arg6 : memref<128x256xi32, #tpu.memory_space<vmem>>) target(%dma_start3A_133 : memref<128x256xi32, #tpu.memory_space<hbm>>) target_semaphore(%arg11 : memref<!tpu.dma_semaphore, #tpu.memory_space<semaphore_mem>>)
    %add3A_134 = arith.constant 2816 : i32
    %add3A_135 = arith.addi %mul3A_2, %add3A_134 : i32
    %dma_start3A_136 = arith.constant 0 : i32
    %dma_start3A_137 = tpu.memref_slice %arg5[%add3A_135, %dma_start3A_136] : memref<131072x256xi32, #tpu.memory_space<hbm>> -> memref<128x256xi32, #tpu.memory_space<hbm>>
    %dma_start3A_138 = arith.constant 0 : i32
    %dma_start3A_139 = tpu.memref_slice %arg5[%add3A_135, %dma_start3A_138] : memref<131072x256xi32, #tpu.memory_space<hbm>> -> memref<128x256xi32, #tpu.memory_space<hbm>>
    tpu.enqueue_dma source(%arg6 : memref<128x256xi32, #tpu.memory_space<vmem>>) target(%dma_start3A_139 : memref<128x256xi32, #tpu.memory_space<hbm>>) target_semaphore(%arg11 : memref<!tpu.dma_semaphore, #tpu.memory_space<semaphore_mem>>)
    %add3A_140 = arith.constant 2944 : i32
    %add3A_141 = arith.addi %mul3A_2, %add3A_140 : i32
    %dma_start3A_142 = arith.constant 0 : i32
    %dma_start3A_143 = tpu.memref_slice %arg5[%add3A_141, %dma_start3A_142] : memref<131072x256xi32, #tpu.memory_space<hbm>> -> memref<128x256xi32, #tpu.memory_space<hbm>>
    %dma_start3A_144 = arith.constant 0 : i32
    %dma_start3A_145 = tpu.memref_slice %arg5[%add3A_141, %dma_start3A_144] : memref<131072x256xi32, #tpu.memory_space<hbm>> -> memref<128x256xi32, #tpu.memory_space<hbm>>
    tpu.enqueue_dma source(%arg6 : memref<128x256xi32, #tpu.memory_space<vmem>>) target(%dma_start3A_145 : memref<128x256xi32, #tpu.memory_space<hbm>>) target_semaphore(%arg11 : memref<!tpu.dma_semaphore, #tpu.memory_space<semaphore_mem>>)
    %add3A_146 = arith.constant 3072 : i32
    %add3A_147 = arith.addi %mul3A_2, %add3A_146 : i32
    %dma_start3A_148 = arith.constant 0 : i32
    %dma_start3A_149 = tpu.memref_slice %arg5[%add3A_147, %dma_start3A_148] : memref<131072x256xi32, #tpu.memory_space<hbm>> -> memref<128x256xi32, #tpu.memory_space<hbm>>
    %dma_start3A_150 = arith.constant 0 : i32
    %dma_start3A_151 = tpu.memref_slice %arg5[%add3A_147, %dma_start3A_150] : memref<131072x256xi32, #tpu.memory_space<hbm>> -> memref<128x256xi32, #tpu.memory_space<hbm>>
    tpu.enqueue_dma source(%arg6 : memref<128x256xi32, #tpu.memory_space<vmem>>) target(%dma_start3A_151 : memref<128x256xi32, #tpu.memory_space<hbm>>) target_semaphore(%arg11 : memref<!tpu.dma_semaphore, #tpu.memory_space<semaphore_mem>>)
    %add3A_152 = arith.constant 3200 : i32
    %add3A_153 = arith.addi %mul3A_2, %add3A_152 : i32
    %dma_start3A_154 = arith.constant 0 : i32
    %dma_start3A_155 = tpu.memref_slice %arg5[%add3A_153, %dma_start3A_154] : memref<131072x256xi32, #tpu.memory_space<hbm>> -> memref<128x256xi32, #tpu.memory_space<hbm>>
    %dma_start3A_156 = arith.constant 0 : i32
    %dma_start3A_157 = tpu.memref_slice %arg5[%add3A_153, %dma_start3A_156] : memref<131072x256xi32, #tpu.memory_space<hbm>> -> memref<128x256xi32, #tpu.memory_space<hbm>>
    tpu.enqueue_dma source(%arg6 : memref<128x256xi32, #tpu.memory_space<vmem>>) target(%dma_start3A_157 : memref<128x256xi32, #tpu.memory_space<hbm>>) target_semaphore(%arg11 : memref<!tpu.dma_semaphore, #tpu.memory_space<semaphore_mem>>)
    %add3A_158 = arith.constant 3328 : i32
    %add3A_159 = arith.addi %mul3A_2, %add3A_158 : i32
    %dma_start3A_160 = arith.constant 0 : i32
    %dma_start3A_161 = tpu.memref_slice %arg5[%add3A_159, %dma_start3A_160] : memref<131072x256xi32, #tpu.memory_space<hbm>> -> memref<128x256xi32, #tpu.memory_space<hbm>>
    %dma_start3A_162 = arith.constant 0 : i32
    %dma_start3A_163 = tpu.memref_slice %arg5[%add3A_159, %dma_start3A_162] : memref<131072x256xi32, #tpu.memory_space<hbm>> -> memref<128x256xi32, #tpu.memory_space<hbm>>
    tpu.enqueue_dma source(%arg6 : memref<128x256xi32, #tpu.memory_space<vmem>>) target(%dma_start3A_163 : memref<128x256xi32, #tpu.memory_space<hbm>>) target_semaphore(%arg11 : memref<!tpu.dma_semaphore, #tpu.memory_space<semaphore_mem>>)
    %add3A_164 = arith.constant 3456 : i32
    %add3A_165 = arith.addi %mul3A_2, %add3A_164 : i32
    %dma_start3A_166 = arith.constant 0 : i32
    %dma_start3A_167 = tpu.memref_slice %arg5[%add3A_165, %dma_start3A_166] : memref<131072x256xi32, #tpu.memory_space<hbm>> -> memref<128x256xi32, #tpu.memory_space<hbm>>
    %dma_start3A_168 = arith.constant 0 : i32
    %dma_start3A_169 = tpu.memref_slice %arg5[%add3A_165, %dma_start3A_168] : memref<131072x256xi32, #tpu.memory_space<hbm>> -> memref<128x256xi32, #tpu.memory_space<hbm>>
    tpu.enqueue_dma source(%arg6 : memref<128x256xi32, #tpu.memory_space<vmem>>) target(%dma_start3A_169 : memref<128x256xi32, #tpu.memory_space<hbm>>) target_semaphore(%arg11 : memref<!tpu.dma_semaphore, #tpu.memory_space<semaphore_mem>>)
    %add3A_170 = arith.constant 3584 : i32
    %add3A_171 = arith.addi %mul3A_2, %add3A_170 : i32
    %dma_start3A_172 = arith.constant 0 : i32
    %dma_start3A_173 = tpu.memref_slice %arg5[%add3A_171, %dma_start3A_172] : memref<131072x256xi32, #tpu.memory_space<hbm>> -> memref<128x256xi32, #tpu.memory_space<hbm>>
    %dma_start3A_174 = arith.constant 0 : i32
    %dma_start3A_175 = tpu.memref_slice %arg5[%add3A_171, %dma_start3A_174] : memref<131072x256xi32, #tpu.memory_space<hbm>> -> memref<128x256xi32, #tpu.memory_space<hbm>>
    tpu.enqueue_dma source(%arg6 : memref<128x256xi32, #tpu.memory_space<vmem>>) target(%dma_start3A_175 : memref<128x256xi32, #tpu.memory_space<hbm>>) target_semaphore(%arg11 : memref<!tpu.dma_semaphore, #tpu.memory_space<semaphore_mem>>)
    %add3A_176 = arith.constant 3712 : i32
    %add3A_177 = arith.addi %mul3A_2, %add3A_176 : i32
    %dma_start3A_178 = arith.constant 0 : i32
    %dma_start3A_179 = tpu.memref_slice %arg5[%add3A_177, %dma_start3A_178] : memref<131072x256xi32, #tpu.memory_space<hbm>> -> memref<128x256xi32, #tpu.memory_space<hbm>>
    %dma_start3A_180 = arith.constant 0 : i32
    %dma_start3A_181 = tpu.memref_slice %arg5[%add3A_177, %dma_start3A_180] : memref<131072x256xi32, #tpu.memory_space<hbm>> -> memref<128x256xi32, #tpu.memory_space<hbm>>
    tpu.enqueue_dma source(%arg6 : memref<128x256xi32, #tpu.memory_space<vmem>>) target(%dma_start3A_181 : memref<128x256xi32, #tpu.memory_space<hbm>>) target_semaphore(%arg11 : memref<!tpu.dma_semaphore, #tpu.memory_space<semaphore_mem>>)
    %add3A_182 = arith.constant 3840 : i32
    %add3A_183 = arith.addi %mul3A_2, %add3A_182 : i32
    %dma_start3A_184 = arith.constant 0 : i32
    %dma_start3A_185 = tpu.memref_slice %arg5[%add3A_183, %dma_start3A_184] : memref<131072x256xi32, #tpu.memory_space<hbm>> -> memref<128x256xi32, #tpu.memory_space<hbm>>
    %dma_start3A_186 = arith.constant 0 : i32
    %dma_start3A_187 = tpu.memref_slice %arg5[%add3A_183, %dma_start3A_186] : memref<131072x256xi32, #tpu.memory_space<hbm>> -> memref<128x256xi32, #tpu.memory_space<hbm>>
    tpu.enqueue_dma source(%arg6 : memref<128x256xi32, #tpu.memory_space<vmem>>) target(%dma_start3A_187 : memref<128x256xi32, #tpu.memory_space<hbm>>) target_semaphore(%arg11 : memref<!tpu.dma_semaphore, #tpu.memory_space<semaphore_mem>>)
    %add3A_188 = arith.constant 3968 : i32
    %add3A_189 = arith.addi %mul3A_2, %add3A_188 : i32
    %dma_start3A_190 = arith.constant 0 : i32
    %dma_start3A_191 = tpu.memref_slice %arg5[%add3A_189, %dma_start3A_190] : memref<131072x256xi32, #tpu.memory_space<hbm>> -> memref<128x256xi32, #tpu.memory_space<hbm>>
    %dma_start3A_192 = arith.constant 0 : i32
    %dma_start3A_193 = tpu.memref_slice %arg5[%add3A_189, %dma_start3A_192] : memref<131072x256xi32, #tpu.memory_space<hbm>> -> memref<128x256xi32, #tpu.memory_space<hbm>>
    tpu.enqueue_dma source(%arg6 : memref<128x256xi32, #tpu.memory_space<vmem>>) target(%dma_start3A_193 : memref<128x256xi32, #tpu.memory_space<hbm>>) target_semaphore(%arg11 : memref<!tpu.dma_semaphore, #tpu.memory_space<semaphore_mem>>)
    %mul3A_194 = arith.constant 64 : i32
    %mul3A_195 = arith.muli %add3A, %mul3A_194 : i32
    "tpu.region"() ({
      %run_scoped3A = tpu.sem_alloc : memref<!tpu.dma_semaphore, #tpu.memory_space<semaphore_mem>>
      %dma_start3A_530 = tpu.memref_slice %arg2[%mul3A_195] : memref<2048xi32, #tpu.memory_space<hbm>> -> memref<64xi32, #tpu.memory_space<hbm>>
      %dma_start3A_531 = tpu.memref_slice %arg2[%mul3A_195] : memref<2048xi32, #tpu.memory_space<hbm>> -> memref<64xi32, #tpu.memory_space<hbm>>
      tpu.enqueue_dma source(%dma_start3A_531 : memref<64xi32, #tpu.memory_space<hbm>>) target(%arg7 : memref<64xi32, #tpu.memory_space<vmem>>) target_semaphore(%run_scoped3A : memref<!tpu.dma_semaphore, #tpu.memory_space<semaphore_mem>>)
      %dma_wait3A_532 = tpu.memref_slice %arg2[%mul3A_195] : memref<2048xi32, #tpu.memory_space<hbm>> -> memref<64xi32, #tpu.memory_space<hbm>>
      %dma_wait3A_533 = tpu.memref_slice %arg2[%mul3A_195] : memref<2048xi32, #tpu.memory_space<hbm>> -> memref<64xi32, #tpu.memory_space<hbm>>
      tpu.wait_dma2 semaphore(%run_scoped3A : memref<!tpu.dma_semaphore, #tpu.memory_space<semaphore_mem>>) src(%dma_wait3A_533 : memref<64xi32, #tpu.memory_space<hbm>>) dst(%arg7 : memref<64xi32, #tpu.memory_space<vmem>>)
      tpu.yield
    }) : () -> ()
    %get3A = arith.constant 0 : index
    %get3A_196 = tpu.vector_load %arg7[%get3A] {strides = array<i32>} : memref<64xi32, #tpu.memory_space<vmem>>, vector<16xi32>,
    %get3A_197 = vector.shape_cast %get3A_196 : vector<16xi32> to vector<16xi32>
    %ge3A = arith.constant 0 : i32
    %ge3A_198 = vector.broadcast %ge3A : i32 to vector<16xi32>
    %ge3A_199 = arith.cmpi sge, %get3A_197, %ge3A_198 : vector<16xi32>
    %and3A = arith.constant 255 : i32
    %and3A_200 = vector.broadcast %and3A : i32 to vector<16xi32>
    %and3A_201 = arith.andi %get3A_197, %and3A_200 : vector<16xi32>
    %shift_right_arithmetic3A = arith.constant 8 : i32
    %shift_right_arithmetic3A_202 = vector.broadcast %shift_right_arithmetic3A : i32 to vector<16xi32>
    %shift_right_arithmetic3A_203 = arith.shrsi %get3A_197, %shift_right_arithmetic3A_202 : vector<16xi32>
    %jit3A = arith.constant 256 : i32
    %broadcast_in_dim3A = vector.broadcast %jit3A : i32 to vector<16xi32>
    %select_n3A = arith.select %ge3A_199, %and3A_201, %broadcast_in_dim3A : vector<16xi1>, vector<16xi32>
    %swap3A = arith.constant 0 : index
    %swap3A_204 = tpu.vector_load %arg8[%swap3A] {strides = array<i32>} : memref<64xi32, #tpu.memory_space<vmem>>, vector<16xi32>,
    %swap3A_205 = vector.shape_cast %swap3A_204 : vector<16xi32> to vector<16xi32>
    %swap3A_206 = vector.shape_cast %select_n3A : vector<16xi32> to vector<16xi32>
    tpu.vector_store %arg8[%swap3A], %swap3A_206 {strides = array<i32>} : memref<64xi32, #tpu.memory_space<vmem>>, vector<16xi32>,
    %add3A_207 = arith.constant 0 : i32
    %add3A_208 = arith.addi %mul3A_195, %add3A_207 : i32
    %iota3A = tpu.iota {dimensions = array<i32: 0>} : vector<16xi32>
    %add3A_209 = vector.broadcast %add3A_208 : i32 to vector<16xi32>
    %add3A_210 = arith.addi %add3A_209, %iota3A : vector<16xi32>
    %mul3A_211 = arith.constant 64 : i32
    %mul3A_212 = vector.broadcast %mul3A_211 : i32 to vector<16xi32>
    %mul3A_213 = arith.muli %add3A_210, %mul3A_212 : vector<16xi32>
    %jit3A_214 = arith.constant 0 : i32
    %broadcast_in_dim3A_215 = vector.broadcast %jit3A_214 : i32 to vector<16xi32>
    %select_n3A_216 = arith.select %ge3A_199, %shift_right_arithmetic3A_203, %broadcast_in_dim3A_215 : vector<16xi1>, vector<16xi32>
    %add3A_217 = arith.addi %mul3A_213, %select_n3A_216 : vector<16xi32>
    %swap3A_218 = arith.constant 0 : index
    %swap3A_219 = tpu.vector_load %arg9[%swap3A_218] {strides = array<i32>} : memref<64xi32, #tpu.memory_space<vmem>>, vector<16xi32>,
    %swap3A_220 = vector.shape_cast %swap3A_219 : vector<16xi32> to vector<16xi32>
    %swap3A_221 = vector.shape_cast %add3A_217 : vector<16xi32> to vector<16xi32>
    tpu.vector_store %arg9[%swap3A_218], %swap3A_221 {strides = array<i32>} : memref<64xi32, #tpu.memory_space<vmem>>, vector<16xi32>,
    %get3A_222 = arith.constant 16 : index
    %get3A_223 = tpu.vector_load %arg7[%get3A_222] {strides = array<i32>} : memref<64xi32, #tpu.memory_space<vmem>>, vector<16xi32>,
    %get3A_224 = vector.shape_cast %get3A_223 : vector<16xi32> to vector<16xi32>
    %ge3A_225 = arith.constant 0 : i32
    %ge3A_226 = vector.broadcast %ge3A_225 : i32 to vector<16xi32>
    %ge3A_227 = arith.cmpi sge, %get3A_224, %ge3A_226 : vector<16xi32>
    %and3A_228 = arith.constant 255 : i32
    %and3A_229 = vector.broadcast %and3A_228 : i32 to vector<16xi32>
    %and3A_230 = arith.andi %get3A_224, %and3A_229 : vector<16xi32>
    %shift_right_arithmetic3A_231 = arith.constant 8 : i32
    %shift_right_arithmetic3A_232 = vector.broadcast %shift_right_arithmetic3A_231 : i32 to vector<16xi32>
    %shift_right_arithmetic3A_233 = arith.shrsi %get3A_224, %shift_right_arithmetic3A_232 : vector<16xi32>
    %jit3A_234 = arith.constant 256 : i32
    %broadcast_in_dim3A_235 = vector.broadcast %jit3A_234 : i32 to vector<16xi32>
    %select_n3A_236 = arith.select %ge3A_227, %and3A_230, %broadcast_in_dim3A_235 : vector<16xi1>, vector<16xi32>
    %swap3A_237 = arith.constant 16 : index
    %swap3A_238 = tpu.vector_load %arg8[%swap3A_237] {strides = array<i32>} : memref<64xi32, #tpu.memory_space<vmem>>, vector<16xi32>,
    %swap3A_239 = vector.shape_cast %swap3A_238 : vector<16xi32> to vector<16xi32>
    %swap3A_240 = vector.shape_cast %select_n3A_236 : vector<16xi32> to vector<16xi32>
    tpu.vector_store %arg8[%swap3A_237], %swap3A_240 {strides = array<i32>} : memref<64xi32, #tpu.memory_space<vmem>>, vector<16xi32>,
    %add3A_241 = arith.constant 16 : i32
    %add3A_242 = arith.addi %mul3A_195, %add3A_241 : i32
    %iota3A_243 = tpu.iota {dimensions = array<i32: 0>} : vector<16xi32>
    %add3A_244 = vector.broadcast %add3A_242 : i32 to vector<16xi32>
    %add3A_245 = arith.addi %add3A_244, %iota3A_243 : vector<16xi32>
    %mul3A_246 = arith.constant 64 : i32
    %mul3A_247 = vector.broadcast %mul3A_246 : i32 to vector<16xi32>
    %mul3A_248 = arith.muli %add3A_245, %mul3A_247 : vector<16xi32>
    %jit3A_249 = arith.constant 0 : i32
    %broadcast_in_dim3A_250 = vector.broadcast %jit3A_249 : i32 to vector<16xi32>
    %select_n3A_251 = arith.select %ge3A_227, %shift_right_arithmetic3A_233, %broadcast_in_dim3A_250 : vector<16xi1>, vector<16xi32>
    %add3A_252 = arith.addi %mul3A_248, %select_n3A_251 : vector<16xi32>
    %swap3A_253 = arith.constant 16 : index
    %swap3A_254 = tpu.vector_load %arg9[%swap3A_253] {strides = array<i32>} : memref<64xi32, #tpu.memory_space<vmem>>, vector<16xi32>,
    %swap3A_255 = vector.shape_cast %swap3A_254 : vector<16xi32> to vector<16xi32>
    %swap3A_256 = vector.shape_cast %add3A_252 : vector<16xi32> to vector<16xi32>
    tpu.vector_store %arg9[%swap3A_253], %swap3A_256 {strides = array<i32>} : memref<64xi32, #tpu.memory_space<vmem>>, vector<16xi32>,
    %get3A_257 = arith.constant 32 : index
    %get3A_258 = tpu.vector_load %arg7[%get3A_257] {strides = array<i32>} : memref<64xi32, #tpu.memory_space<vmem>>, vector<16xi32>,
    %get3A_259 = vector.shape_cast %get3A_258 : vector<16xi32> to vector<16xi32>
    %ge3A_260 = arith.constant 0 : i32
    %ge3A_261 = vector.broadcast %ge3A_260 : i32 to vector<16xi32>
    %ge3A_262 = arith.cmpi sge, %get3A_259, %ge3A_261 : vector<16xi32>
    %and3A_263 = arith.constant 255 : i32
    %and3A_264 = vector.broadcast %and3A_263 : i32 to vector<16xi32>
    %and3A_265 = arith.andi %get3A_259, %and3A_264 : vector<16xi32>
    %shift_right_arithmetic3A_266 = arith.constant 8 : i32
    %shift_right_arithmetic3A_267 = vector.broadcast %shift_right_arithmetic3A_266 : i32 to vector<16xi32>
    %shift_right_arithmetic3A_268 = arith.shrsi %get3A_259, %shift_right_arithmetic3A_267 : vector<16xi32>
    %jit3A_269 = arith.constant 256 : i32
    %broadcast_in_dim3A_270 = vector.broadcast %jit3A_269 : i32 to vector<16xi32>
    %select_n3A_271 = arith.select %ge3A_262, %and3A_265, %broadcast_in_dim3A_270 : vector<16xi1>, vector<16xi32>
    %swap3A_272 = arith.constant 32 : index
    %swap3A_273 = tpu.vector_load %arg8[%swap3A_272] {strides = array<i32>} : memref<64xi32, #tpu.memory_space<vmem>>, vector<16xi32>,
    %swap3A_274 = vector.shape_cast %swap3A_273 : vector<16xi32> to vector<16xi32>
    %swap3A_275 = vector.shape_cast %select_n3A_271 : vector<16xi32> to vector<16xi32>
    tpu.vector_store %arg8[%swap3A_272], %swap3A_275 {strides = array<i32>} : memref<64xi32, #tpu.memory_space<vmem>>, vector<16xi32>,
    %add3A_276 = arith.constant 32 : i32
    %add3A_277 = arith.addi %mul3A_195, %add3A_276 : i32
    %iota3A_278 = tpu.iota {dimensions = array<i32: 0>} : vector<16xi32>
    %add3A_279 = vector.broadcast %add3A_277 : i32 to vector<16xi32>
    %add3A_280 = arith.addi %add3A_279, %iota3A_278 : vector<16xi32>
    %mul3A_281 = arith.constant 64 : i32
    %mul3A_282 = vector.broadcast %mul3A_281 : i32 to vector<16xi32>
    %mul3A_283 = arith.muli %add3A_280, %mul3A_282 : vector<16xi32>
    %jit3A_284 = arith.constant 0 : i32
    %broadcast_in_dim3A_285 = vector.broadcast %jit3A_284 : i32 to vector<16xi32>
    %select_n3A_286 = arith.select %ge3A_262, %shift_right_arithmetic3A_268, %broadcast_in_dim3A_285 : vector<16xi1>, vector<16xi32>
    %add3A_287 = arith.addi %mul3A_283, %select_n3A_286 : vector<16xi32>
    %swap3A_288 = arith.constant 32 : index
    %swap3A_289 = tpu.vector_load %arg9[%swap3A_288] {strides = array<i32>} : memref<64xi32, #tpu.memory_space<vmem>>, vector<16xi32>,
    %swap3A_290 = vector.shape_cast %swap3A_289 : vector<16xi32> to vector<16xi32>
    %swap3A_291 = vector.shape_cast %add3A_287 : vector<16xi32> to vector<16xi32>
    tpu.vector_store %arg9[%swap3A_288], %swap3A_291 {strides = array<i32>} : memref<64xi32, #tpu.memory_space<vmem>>, vector<16xi32>,
    %get3A_292 = arith.constant 48 : index
    %get3A_293 = tpu.vector_load %arg7[%get3A_292] {strides = array<i32>} : memref<64xi32, #tpu.memory_space<vmem>>, vector<16xi32>,
    %get3A_294 = vector.shape_cast %get3A_293 : vector<16xi32> to vector<16xi32>
    %ge3A_295 = arith.constant 0 : i32
    %ge3A_296 = vector.broadcast %ge3A_295 : i32 to vector<16xi32>
    %ge3A_297 = arith.cmpi sge, %get3A_294, %ge3A_296 : vector<16xi32>
    %and3A_298 = arith.constant 255 : i32
    %and3A_299 = vector.broadcast %and3A_298 : i32 to vector<16xi32>
    %and3A_300 = arith.andi %get3A_294, %and3A_299 : vector<16xi32>
    %shift_right_arithmetic3A_301 = arith.constant 8 : i32
    %shift_right_arithmetic3A_302 = vector.broadcast %shift_right_arithmetic3A_301 : i32 to vector<16xi32>
    %shift_right_arithmetic3A_303 = arith.shrsi %get3A_294, %shift_right_arithmetic3A_302 : vector<16xi32>
    %jit3A_304 = arith.constant 256 : i32
    %broadcast_in_dim3A_305 = vector.broadcast %jit3A_304 : i32 to vector<16xi32>
    %select_n3A_306 = arith.select %ge3A_297, %and3A_300, %broadcast_in_dim3A_305 : vector<16xi1>, vector<16xi32>
    %swap3A_307 = arith.constant 48 : index
    %swap3A_308 = tpu.vector_load %arg8[%swap3A_307] {strides = array<i32>} : memref<64xi32, #tpu.memory_space<vmem>>, vector<16xi32>,
    %swap3A_309 = vector.shape_cast %swap3A_308 : vector<16xi32> to vector<16xi32>
    %swap3A_310 = vector.shape_cast %select_n3A_306 : vector<16xi32> to vector<16xi32>
    tpu.vector_store %arg8[%swap3A_307], %swap3A_310 {strides = array<i32>} : memref<64xi32, #tpu.memory_space<vmem>>, vector<16xi32>,
    %add3A_311 = arith.constant 48 : i32
    %add3A_312 = arith.addi %mul3A_195, %add3A_311 : i32
    %iota3A_313 = tpu.iota {dimensions = array<i32: 0>} : vector<16xi32>
    %add3A_314 = vector.broadcast %add3A_312 : i32 to vector<16xi32>
    %add3A_315 = arith.addi %add3A_314, %iota3A_313 : vector<16xi32>
    %mul3A_316 = arith.constant 64 : i32
    %mul3A_317 = vector.broadcast %mul3A_316 : i32 to vector<16xi32>
    %mul3A_318 = arith.muli %add3A_315, %mul3A_317 : vector<16xi32>
    %jit3A_319 = arith.constant 0 : i32
    %broadcast_in_dim3A_320 = vector.broadcast %jit3A_319 : i32 to vector<16xi32>
    %select_n3A_321 = arith.select %ge3A_297, %shift_right_arithmetic3A_303, %broadcast_in_dim3A_320 : vector<16xi1>, vector<16xi32>
    %add3A_322 = arith.addi %mul3A_318, %select_n3A_321 : vector<16xi32>
    %swap3A_323 = arith.constant 48 : index
    %swap3A_324 = tpu.vector_load %arg9[%swap3A_323] {strides = array<i32>} : memref<64xi32, #tpu.memory_space<vmem>>, vector<16xi32>,
    %swap3A_325 = vector.shape_cast %swap3A_324 : vector<16xi32> to vector<16xi32>
    %swap3A_326 = vector.shape_cast %add3A_322 : vector<16xi32> to vector<16xi32>
    tpu.vector_store %arg9[%swap3A_323], %swap3A_326 {strides = array<i32>} : memref<64xi32, #tpu.memory_space<vmem>>, vector<16xi32>,
    %dma_start3A_327 = arith.constant 0 : i32
    %dma_start3A_328 = arith.constant 0 : i32
    %dma_start3A_329 = tpu.memref_slice %arg3[%dma_start3A_327, %dma_start3A_328] : memref<264x256xi32, #tpu.memory_space<hbm>> -> memref<264x256xi32, #tpu.memory_space<hbm>>
    tpu.enqueue_indirect_dma source(%dma_start3A_329 : memref<264x256xi32, #tpu.memory_space<hbm>>) target(%arg10 : memref<64x256xi32, #tpu.memory_space<vmem>>) offsets(%arg8 : memref<64xi32, #tpu.memory_space<vmem>>) semaphore(%arg12 : memref<!tpu.dma_semaphore, #tpu.memory_space<semaphore_mem>>)
    %dma_wait3A = arith.constant 0 : i32
    %dma_wait3A_330 = arith.constant 0 : i32
    %dma_wait3A_331 = tpu.memref_slice %arg3[%dma_wait3A, %dma_wait3A_330] : memref<264x256xi32, #tpu.memory_space<hbm>> -> memref<264x256xi32, #tpu.memory_space<hbm>>
    tpu.wait_indirect_dma semaphore(%arg12 : memref<!tpu.dma_semaphore, #tpu.memory_space<semaphore_mem>>) src(%dma_wait3A_331 : memref<264x256xi32, #tpu.memory_space<hbm>>) dst(%arg10 : memref<64x256xi32, #tpu.memory_space<vmem>>)
    %add3A_332 = arith.constant 0 : i32
    %add3A_333 = arith.addi %mul3A_2, %add3A_332 : i32
    %dma_wait3A_334 = arith.constant 0 : i32
    %dma_wait3A_335 = tpu.memref_slice %arg5[%add3A_333, %dma_wait3A_334] : memref<131072x256xi32, #tpu.memory_space<hbm>> -> memref<128x256xi32, #tpu.memory_space<hbm>>
    %dma_wait3A_336 = arith.constant 0 : i32
    %dma_wait3A_337 = tpu.memref_slice %arg5[%add3A_333, %dma_wait3A_336] : memref<131072x256xi32, #tpu.memory_space<hbm>> -> memref<128x256xi32, #tpu.memory_space<hbm>>
    tpu.wait_dma2 semaphore(%arg11 : memref<!tpu.dma_semaphore, #tpu.memory_space<semaphore_mem>>) src(%arg6 : memref<128x256xi32, #tpu.memory_space<vmem>>) dst(%dma_wait3A_337 : memref<128x256xi32, #tpu.memory_space<hbm>>)
    %add3A_338 = arith.constant 128 : i32
    %add3A_339 = arith.addi %mul3A_2, %add3A_338 : i32
    %dma_wait3A_340 = arith.constant 0 : i32
    %dma_wait3A_341 = tpu.memref_slice %arg5[%add3A_339, %dma_wait3A_340] : memref<131072x256xi32, #tpu.memory_space<hbm>> -> memref<128x256xi32, #tpu.memory_space<hbm>>
    %dma_wait3A_342 = arith.constant 0 : i32
    %dma_wait3A_343 = tpu.memref_slice %arg5[%add3A_339, %dma_wait3A_342] : memref<131072x256xi32, #tpu.memory_space<hbm>> -> memref<128x256xi32, #tpu.memory_space<hbm>>
    tpu.wait_dma2 semaphore(%arg11 : memref<!tpu.dma_semaphore, #tpu.memory_space<semaphore_mem>>) src(%arg6 : memref<128x256xi32, #tpu.memory_space<vmem>>) dst(%dma_wait3A_343 : memref<128x256xi32, #tpu.memory_space<hbm>>)
    %add3A_344 = arith.constant 256 : i32
    %add3A_345 = arith.addi %mul3A_2, %add3A_344 : i32
    %dma_wait3A_346 = arith.constant 0 : i32
    %dma_wait3A_347 = tpu.memref_slice %arg5[%add3A_345, %dma_wait3A_346] : memref<131072x256xi32, #tpu.memory_space<hbm>> -> memref<128x256xi32, #tpu.memory_space<hbm>>
    %dma_wait3A_348 = arith.constant 0 : i32
    %dma_wait3A_349 = tpu.memref_slice %arg5[%add3A_345, %dma_wait3A_348] : memref<131072x256xi32, #tpu.memory_space<hbm>> -> memref<128x256xi32, #tpu.memory_space<hbm>>
    tpu.wait_dma2 semaphore(%arg11 : memref<!tpu.dma_semaphore, #tpu.memory_space<semaphore_mem>>) src(%arg6 : memref<128x256xi32, #tpu.memory_space<vmem>>) dst(%dma_wait3A_349 : memref<128x256xi32, #tpu.memory_space<hbm>>)
    %add3A_350 = arith.constant 384 : i32
    %add3A_351 = arith.addi %mul3A_2, %add3A_350 : i32
    %dma_wait3A_352 = arith.constant 0 : i32
    %dma_wait3A_353 = tpu.memref_slice %arg5[%add3A_351, %dma_wait3A_352] : memref<131072x256xi32, #tpu.memory_space<hbm>> -> memref<128x256xi32, #tpu.memory_space<hbm>>
    %dma_wait3A_354 = arith.constant 0 : i32
    %dma_wait3A_355 = tpu.memref_slice %arg5[%add3A_351, %dma_wait3A_354] : memref<131072x256xi32, #tpu.memory_space<hbm>> -> memref<128x256xi32, #tpu.memory_space<hbm>>
    tpu.wait_dma2 semaphore(%arg11 : memref<!tpu.dma_semaphore, #tpu.memory_space<semaphore_mem>>) src(%arg6 : memref<128x256xi32, #tpu.memory_space<vmem>>) dst(%dma_wait3A_355 : memref<128x256xi32, #tpu.memory_space<hbm>>)
    %add3A_356 = arith.constant 512 : i32
    %add3A_357 = arith.addi %mul3A_2, %add3A_356 : i32
    %dma_wait3A_358 = arith.constant 0 : i32
    %dma_wait3A_359 = tpu.memref_slice %arg5[%add3A_357, %dma_wait3A_358] : memref<131072x256xi32, #tpu.memory_space<hbm>> -> memref<128x256xi32, #tpu.memory_space<hbm>>
    %dma_wait3A_360 = arith.constant 0 : i32
    %dma_wait3A_361 = tpu.memref_slice %arg5[%add3A_357, %dma_wait3A_360] : memref<131072x256xi32, #tpu.memory_space<hbm>> -> memref<128x256xi32, #tpu.memory_space<hbm>>
    tpu.wait_dma2 semaphore(%arg11 : memref<!tpu.dma_semaphore, #tpu.memory_space<semaphore_mem>>) src(%arg6 : memref<128x256xi32, #tpu.memory_space<vmem>>) dst(%dma_wait3A_361 : memref<128x256xi32, #tpu.memory_space<hbm>>)
    %add3A_362 = arith.constant 640 : i32
    %add3A_363 = arith.addi %mul3A_2, %add3A_362 : i32
    %dma_wait3A_364 = arith.constant 0 : i32
    %dma_wait3A_365 = tpu.memref_slice %arg5[%add3A_363, %dma_wait3A_364] : memref<131072x256xi32, #tpu.memory_space<hbm>> -> memref<128x256xi32, #tpu.memory_space<hbm>>
    %dma_wait3A_366 = arith.constant 0 : i32
    %dma_wait3A_367 = tpu.memref_slice %arg5[%add3A_363, %dma_wait3A_366] : memref<131072x256xi32, #tpu.memory_space<hbm>> -> memref<128x256xi32, #tpu.memory_space<hbm>>
    tpu.wait_dma2 semaphore(%arg11 : memref<!tpu.dma_semaphore, #tpu.memory_space<semaphore_mem>>) src(%arg6 : memref<128x256xi32, #tpu.memory_space<vmem>>) dst(%dma_wait3A_367 : memref<128x256xi32, #tpu.memory_space<hbm>>)
    %add3A_368 = arith.constant 768 : i32
    %add3A_369 = arith.addi %mul3A_2, %add3A_368 : i32
    %dma_wait3A_370 = arith.constant 0 : i32
    %dma_wait3A_371 = tpu.memref_slice %arg5[%add3A_369, %dma_wait3A_370] : memref<131072x256xi32, #tpu.memory_space<hbm>> -> memref<128x256xi32, #tpu.memory_space<hbm>>
    %dma_wait3A_372 = arith.constant 0 : i32
    %dma_wait3A_373 = tpu.memref_slice %arg5[%add3A_369, %dma_wait3A_372] : memref<131072x256xi32, #tpu.memory_space<hbm>> -> memref<128x256xi32, #tpu.memory_space<hbm>>
    tpu.wait_dma2 semaphore(%arg11 : memref<!tpu.dma_semaphore, #tpu.memory_space<semaphore_mem>>) src(%arg6 : memref<128x256xi32, #tpu.memory_space<vmem>>) dst(%dma_wait3A_373 : memref<128x256xi32, #tpu.memory_space<hbm>>)
    %add3A_374 = arith.constant 896 : i32
    %add3A_375 = arith.addi %mul3A_2, %add3A_374 : i32
    %dma_wait3A_376 = arith.constant 0 : i32
    %dma_wait3A_377 = tpu.memref_slice %arg5[%add3A_375, %dma_wait3A_376] : memref<131072x256xi32, #tpu.memory_space<hbm>> -> memref<128x256xi32, #tpu.memory_space<hbm>>
    %dma_wait3A_378 = arith.constant 0 : i32
    %dma_wait3A_379 = tpu.memref_slice %arg5[%add3A_375, %dma_wait3A_378] : memref<131072x256xi32, #tpu.memory_space<hbm>> -> memref<128x256xi32, #tpu.memory_space<hbm>>
    tpu.wait_dma2 semaphore(%arg11 : memref<!tpu.dma_semaphore, #tpu.memory_space<semaphore_mem>>) src(%arg6 : memref<128x256xi32, #tpu.memory_space<vmem>>) dst(%dma_wait3A_379 : memref<128x256xi32, #tpu.memory_space<hbm>>)
    %add3A_380 = arith.constant 1024 : i32
    %add3A_381 = arith.addi %mul3A_2, %add3A_380 : i32
    %dma_wait3A_382 = arith.constant 0 : i32
    %dma_wait3A_383 = tpu.memref_slice %arg5[%add3A_381, %dma_wait3A_382] : memref<131072x256xi32, #tpu.memory_space<hbm>> -> memref<128x256xi32, #tpu.memory_space<hbm>>
    %dma_wait3A_384 = arith.constant 0 : i32
    %dma_wait3A_385 = tpu.memref_slice %arg5[%add3A_381, %dma_wait3A_384] : memref<131072x256xi32, #tpu.memory_space<hbm>> -> memref<128x256xi32, #tpu.memory_space<hbm>>
    tpu.wait_dma2 semaphore(%arg11 : memref<!tpu.dma_semaphore, #tpu.memory_space<semaphore_mem>>) src(%arg6 : memref<128x256xi32, #tpu.memory_space<vmem>>) dst(%dma_wait3A_385 : memref<128x256xi32, #tpu.memory_space<hbm>>)
    %add3A_386 = arith.constant 1152 : i32
    %add3A_387 = arith.addi %mul3A_2, %add3A_386 : i32
    %dma_wait3A_388 = arith.constant 0 : i32
    %dma_wait3A_389 = tpu.memref_slice %arg5[%add3A_387, %dma_wait3A_388] : memref<131072x256xi32, #tpu.memory_space<hbm>> -> memref<128x256xi32, #tpu.memory_space<hbm>>
    %dma_wait3A_390 = arith.constant 0 : i32
    %dma_wait3A_391 = tpu.memref_slice %arg5[%add3A_387, %dma_wait3A_390] : memref<131072x256xi32, #tpu.memory_space<hbm>> -> memref<128x256xi32, #tpu.memory_space<hbm>>
    tpu.wait_dma2 semaphore(%arg11 : memref<!tpu.dma_semaphore, #tpu.memory_space<semaphore_mem>>) src(%arg6 : memref<128x256xi32, #tpu.memory_space<vmem>>) dst(%dma_wait3A_391 : memref<128x256xi32, #tpu.memory_space<hbm>>)
    %add3A_392 = arith.constant 1280 : i32
    %add3A_393 = arith.addi %mul3A_2, %add3A_392 : i32
    %dma_wait3A_394 = arith.constant 0 : i32
    %dma_wait3A_395 = tpu.memref_slice %arg5[%add3A_393, %dma_wait3A_394] : memref<131072x256xi32, #tpu.memory_space<hbm>> -> memref<128x256xi32, #tpu.memory_space<hbm>>
    %dma_wait3A_396 = arith.constant 0 : i32
    %dma_wait3A_397 = tpu.memref_slice %arg5[%add3A_393, %dma_wait3A_396] : memref<131072x256xi32, #tpu.memory_space<hbm>> -> memref<128x256xi32, #tpu.memory_space<hbm>>
    tpu.wait_dma2 semaphore(%arg11 : memref<!tpu.dma_semaphore, #tpu.memory_space<semaphore_mem>>) src(%arg6 : memref<128x256xi32, #tpu.memory_space<vmem>>) dst(%dma_wait3A_397 : memref<128x256xi32, #tpu.memory_space<hbm>>)
    %add3A_398 = arith.constant 1408 : i32
    %add3A_399 = arith.addi %mul3A_2, %add3A_398 : i32
    %dma_wait3A_400 = arith.constant 0 : i32
    %dma_wait3A_401 = tpu.memref_slice %arg5[%add3A_399, %dma_wait3A_400] : memref<131072x256xi32, #tpu.memory_space<hbm>> -> memref<128x256xi32, #tpu.memory_space<hbm>>
    %dma_wait3A_402 = arith.constant 0 : i32
    %dma_wait3A_403 = tpu.memref_slice %arg5[%add3A_399, %dma_wait3A_402] : memref<131072x256xi32, #tpu.memory_space<hbm>> -> memref<128x256xi32, #tpu.memory_space<hbm>>
    tpu.wait_dma2 semaphore(%arg11 : memref<!tpu.dma_semaphore, #tpu.memory_space<semaphore_mem>>) src(%arg6 : memref<128x256xi32, #tpu.memory_space<vmem>>) dst(%dma_wait3A_403 : memref<128x256xi32, #tpu.memory_space<hbm>>)
    %add3A_404 = arith.constant 1536 : i32
    %add3A_405 = arith.addi %mul3A_2, %add3A_404 : i32
    %dma_wait3A_406 = arith.constant 0 : i32
    %dma_wait3A_407 = tpu.memref_slice %arg5[%add3A_405, %dma_wait3A_406] : memref<131072x256xi32, #tpu.memory_space<hbm>> -> memref<128x256xi32, #tpu.memory_space<hbm>>
    %dma_wait3A_408 = arith.constant 0 : i32
    %dma_wait3A_409 = tpu.memref_slice %arg5[%add3A_405, %dma_wait3A_408] : memref<131072x256xi32, #tpu.memory_space<hbm>> -> memref<128x256xi32, #tpu.memory_space<hbm>>
    tpu.wait_dma2 semaphore(%arg11 : memref<!tpu.dma_semaphore, #tpu.memory_space<semaphore_mem>>) src(%arg6 : memref<128x256xi32, #tpu.memory_space<vmem>>) dst(%dma_wait3A_409 : memref<128x256xi32, #tpu.memory_space<hbm>>)
    %add3A_410 = arith.constant 1664 : i32
    %add3A_411 = arith.addi %mul3A_2, %add3A_410 : i32
    %dma_wait3A_412 = arith.constant 0 : i32
    %dma_wait3A_413 = tpu.memref_slice %arg5[%add3A_411, %dma_wait3A_412] : memref<131072x256xi32, #tpu.memory_space<hbm>> -> memref<128x256xi32, #tpu.memory_space<hbm>>
    %dma_wait3A_414 = arith.constant 0 : i32
    %dma_wait3A_415 = tpu.memref_slice %arg5[%add3A_411, %dma_wait3A_414] : memref<131072x256xi32, #tpu.memory_space<hbm>> -> memref<128x256xi32, #tpu.memory_space<hbm>>
    tpu.wait_dma2 semaphore(%arg11 : memref<!tpu.dma_semaphore, #tpu.memory_space<semaphore_mem>>) src(%arg6 : memref<128x256xi32, #tpu.memory_space<vmem>>) dst(%dma_wait3A_415 : memref<128x256xi32, #tpu.memory_space<hbm>>)
    %add3A_416 = arith.constant 1792 : i32
    %add3A_417 = arith.addi %mul3A_2, %add3A_416 : i32
    %dma_wait3A_418 = arith.constant 0 : i32
    %dma_wait3A_419 = tpu.memref_slice %arg5[%add3A_417, %dma_wait3A_418] : memref<131072x256xi32, #tpu.memory_space<hbm>> -> memref<128x256xi32, #tpu.memory_space<hbm>>
    %dma_wait3A_420 = arith.constant 0 : i32
    %dma_wait3A_421 = tpu.memref_slice %arg5[%add3A_417, %dma_wait3A_420] : memref<131072x256xi32, #tpu.memory_space<hbm>> -> memref<128x256xi32, #tpu.memory_space<hbm>>
    tpu.wait_dma2 semaphore(%arg11 : memref<!tpu.dma_semaphore, #tpu.memory_space<semaphore_mem>>) src(%arg6 : memref<128x256xi32, #tpu.memory_space<vmem>>) dst(%dma_wait3A_421 : memref<128x256xi32, #tpu.memory_space<hbm>>)
    %add3A_422 = arith.constant 1920 : i32
    %add3A_423 = arith.addi %mul3A_2, %add3A_422 : i32
    %dma_wait3A_424 = arith.constant 0 : i32
    %dma_wait3A_425 = tpu.memref_slice %arg5[%add3A_423, %dma_wait3A_424] : memref<131072x256xi32, #tpu.memory_space<hbm>> -> memref<128x256xi32, #tpu.memory_space<hbm>>
    %dma_wait3A_426 = arith.constant 0 : i32
    %dma_wait3A_427 = tpu.memref_slice %arg5[%add3A_423, %dma_wait3A_426] : memref<131072x256xi32, #tpu.memory_space<hbm>> -> memref<128x256xi32, #tpu.memory_space<hbm>>
    tpu.wait_dma2 semaphore(%arg11 : memref<!tpu.dma_semaphore, #tpu.memory_space<semaphore_mem>>) src(%arg6 : memref<128x256xi32, #tpu.memory_space<vmem>>) dst(%dma_wait3A_427 : memref<128x256xi32, #tpu.memory_space<hbm>>)
    %add3A_428 = arith.constant 2048 : i32
    %add3A_429 = arith.addi %mul3A_2, %add3A_428 : i32
    %dma_wait3A_430 = arith.constant 0 : i32
    %dma_wait3A_431 = tpu.memref_slice %arg5[%add3A_429, %dma_wait3A_430] : memref<131072x256xi32, #tpu.memory_space<hbm>> -> memref<128x256xi32, #tpu.memory_space<hbm>>
    %dma_wait3A_432 = arith.constant 0 : i32
    %dma_wait3A_433 = tpu.memref_slice %arg5[%add3A_429, %dma_wait3A_432] : memref<131072x256xi32, #tpu.memory_space<hbm>> -> memref<128x256xi32, #tpu.memory_space<hbm>>
    tpu.wait_dma2 semaphore(%arg11 : memref<!tpu.dma_semaphore, #tpu.memory_space<semaphore_mem>>) src(%arg6 : memref<128x256xi32, #tpu.memory_space<vmem>>) dst(%dma_wait3A_433 : memref<128x256xi32, #tpu.memory_space<hbm>>)
    %add3A_434 = arith.constant 2176 : i32
    %add3A_435 = arith.addi %mul3A_2, %add3A_434 : i32
    %dma_wait3A_436 = arith.constant 0 : i32
    %dma_wait3A_437 = tpu.memref_slice %arg5[%add3A_435, %dma_wait3A_436] : memref<131072x256xi32, #tpu.memory_space<hbm>> -> memref<128x256xi32, #tpu.memory_space<hbm>>
    %dma_wait3A_438 = arith.constant 0 : i32
    %dma_wait3A_439 = tpu.memref_slice %arg5[%add3A_435, %dma_wait3A_438] : memref<131072x256xi32, #tpu.memory_space<hbm>> -> memref<128x256xi32, #tpu.memory_space<hbm>>
    tpu.wait_dma2 semaphore(%arg11 : memref<!tpu.dma_semaphore, #tpu.memory_space<semaphore_mem>>) src(%arg6 : memref<128x256xi32, #tpu.memory_space<vmem>>) dst(%dma_wait3A_439 : memref<128x256xi32, #tpu.memory_space<hbm>>)
    %add3A_440 = arith.constant 2304 : i32
    %add3A_441 = arith.addi %mul3A_2, %add3A_440 : i32
    %dma_wait3A_442 = arith.constant 0 : i32
    %dma_wait3A_443 = tpu.memref_slice %arg5[%add3A_441, %dma_wait3A_442] : memref<131072x256xi32, #tpu.memory_space<hbm>> -> memref<128x256xi32, #tpu.memory_space<hbm>>
    %dma_wait3A_444 = arith.constant 0 : i32
    %dma_wait3A_445 = tpu.memref_slice %arg5[%add3A_441, %dma_wait3A_444] : memref<131072x256xi32, #tpu.memory_space<hbm>> -> memref<128x256xi32, #tpu.memory_space<hbm>>
    tpu.wait_dma2 semaphore(%arg11 : memref<!tpu.dma_semaphore, #tpu.memory_space<semaphore_mem>>) src(%arg6 : memref<128x256xi32, #tpu.memory_space<vmem>>) dst(%dma_wait3A_445 : memref<128x256xi32, #tpu.memory_space<hbm>>)
    %add3A_446 = arith.constant 2432 : i32
    %add3A_447 = arith.addi %mul3A_2, %add3A_446 : i32
    %dma_wait3A_448 = arith.constant 0 : i32
    %dma_wait3A_449 = tpu.memref_slice %arg5[%add3A_447, %dma_wait3A_448] : memref<131072x256xi32, #tpu.memory_space<hbm>> -> memref<128x256xi32, #tpu.memory_space<hbm>>
    %dma_wait3A_450 = arith.constant 0 : i32
    %dma_wait3A_451 = tpu.memref_slice %arg5[%add3A_447, %dma_wait3A_450] : memref<131072x256xi32, #tpu.memory_space<hbm>> -> memref<128x256xi32, #tpu.memory_space<hbm>>
    tpu.wait_dma2 semaphore(%arg11 : memref<!tpu.dma_semaphore, #tpu.memory_space<semaphore_mem>>) src(%arg6 : memref<128x256xi32, #tpu.memory_space<vmem>>) dst(%dma_wait3A_451 : memref<128x256xi32, #tpu.memory_space<hbm>>)
    %add3A_452 = arith.constant 2560 : i32
    %add3A_453 = arith.addi %mul3A_2, %add3A_452 : i32
    %dma_wait3A_454 = arith.constant 0 : i32
    %dma_wait3A_455 = tpu.memref_slice %arg5[%add3A_453, %dma_wait3A_454] : memref<131072x256xi32, #tpu.memory_space<hbm>> -> memref<128x256xi32, #tpu.memory_space<hbm>>
    %dma_wait3A_456 = arith.constant 0 : i32
    %dma_wait3A_457 = tpu.memref_slice %arg5[%add3A_453, %dma_wait3A_456] : memref<131072x256xi32, #tpu.memory_space<hbm>> -> memref<128x256xi32, #tpu.memory_space<hbm>>
    tpu.wait_dma2 semaphore(%arg11 : memref<!tpu.dma_semaphore, #tpu.memory_space<semaphore_mem>>) src(%arg6 : memref<128x256xi32, #tpu.memory_space<vmem>>) dst(%dma_wait3A_457 : memref<128x256xi32, #tpu.memory_space<hbm>>)
    %add3A_458 = arith.constant 2688 : i32
    %add3A_459 = arith.addi %mul3A_2, %add3A_458 : i32
    %dma_wait3A_460 = arith.constant 0 : i32
    %dma_wait3A_461 = tpu.memref_slice %arg5[%add3A_459, %dma_wait3A_460] : memref<131072x256xi32, #tpu.memory_space<hbm>> -> memref<128x256xi32, #tpu.memory_space<hbm>>
    %dma_wait3A_462 = arith.constant 0 : i32
    %dma_wait3A_463 = tpu.memref_slice %arg5[%add3A_459, %dma_wait3A_462] : memref<131072x256xi32, #tpu.memory_space<hbm>> -> memref<128x256xi32, #tpu.memory_space<hbm>>
    tpu.wait_dma2 semaphore(%arg11 : memref<!tpu.dma_semaphore, #tpu.memory_space<semaphore_mem>>) src(%arg6 : memref<128x256xi32, #tpu.memory_space<vmem>>) dst(%dma_wait3A_463 : memref<128x256xi32, #tpu.memory_space<hbm>>)
    %add3A_464 = arith.constant 2816 : i32
    %add3A_465 = arith.addi %mul3A_2, %add3A_464 : i32
    %dma_wait3A_466 = arith.constant 0 : i32
    %dma_wait3A_467 = tpu.memref_slice %arg5[%add3A_465, %dma_wait3A_466] : memref<131072x256xi32, #tpu.memory_space<hbm>> -> memref<128x256xi32, #tpu.memory_space<hbm>>
    %dma_wait3A_468 = arith.constant 0 : i32
    %dma_wait3A_469 = tpu.memref_slice %arg5[%add3A_465, %dma_wait3A_468] : memref<131072x256xi32, #tpu.memory_space<hbm>> -> memref<128x256xi32, #tpu.memory_space<hbm>>
    tpu.wait_dma2 semaphore(%arg11 : memref<!tpu.dma_semaphore, #tpu.memory_space<semaphore_mem>>) src(%arg6 : memref<128x256xi32, #tpu.memory_space<vmem>>) dst(%dma_wait3A_469 : memref<128x256xi32, #tpu.memory_space<hbm>>)
    %add3A_470 = arith.constant 2944 : i32
    %add3A_471 = arith.addi %mul3A_2, %add3A_470 : i32
    %dma_wait3A_472 = arith.constant 0 : i32
    %dma_wait3A_473 = tpu.memref_slice %arg5[%add3A_471, %dma_wait3A_472] : memref<131072x256xi32, #tpu.memory_space<hbm>> -> memref<128x256xi32, #tpu.memory_space<hbm>>
    %dma_wait3A_474 = arith.constant 0 : i32
    %dma_wait3A_475 = tpu.memref_slice %arg5[%add3A_471, %dma_wait3A_474] : memref<131072x256xi32, #tpu.memory_space<hbm>> -> memref<128x256xi32, #tpu.memory_space<hbm>>
    tpu.wait_dma2 semaphore(%arg11 : memref<!tpu.dma_semaphore, #tpu.memory_space<semaphore_mem>>) src(%arg6 : memref<128x256xi32, #tpu.memory_space<vmem>>) dst(%dma_wait3A_475 : memref<128x256xi32, #tpu.memory_space<hbm>>)
    %add3A_476 = arith.constant 3072 : i32
    %add3A_477 = arith.addi %mul3A_2, %add3A_476 : i32
    %dma_wait3A_478 = arith.constant 0 : i32
    %dma_wait3A_479 = tpu.memref_slice %arg5[%add3A_477, %dma_wait3A_478] : memref<131072x256xi32, #tpu.memory_space<hbm>> -> memref<128x256xi32, #tpu.memory_space<hbm>>
    %dma_wait3A_480 = arith.constant 0 : i32
    %dma_wait3A_481 = tpu.memref_slice %arg5[%add3A_477, %dma_wait3A_480] : memref<131072x256xi32, #tpu.memory_space<hbm>> -> memref<128x256xi32, #tpu.memory_space<hbm>>
    tpu.wait_dma2 semaphore(%arg11 : memref<!tpu.dma_semaphore, #tpu.memory_space<semaphore_mem>>) src(%arg6 : memref<128x256xi32, #tpu.memory_space<vmem>>) dst(%dma_wait3A_481 : memref<128x256xi32, #tpu.memory_space<hbm>>)
    %add3A_482 = arith.constant 3200 : i32
    %add3A_483 = arith.addi %mul3A_2, %add3A_482 : i32
    %dma_wait3A_484 = arith.constant 0 : i32
    %dma_wait3A_485 = tpu.memref_slice %arg5[%add3A_483, %dma_wait3A_484] : memref<131072x256xi32, #tpu.memory_space<hbm>> -> memref<128x256xi32, #tpu.memory_space<hbm>>
    %dma_wait3A_486 = arith.constant 0 : i32
    %dma_wait3A_487 = tpu.memref_slice %arg5[%add3A_483, %dma_wait3A_486] : memref<131072x256xi32, #tpu.memory_space<hbm>> -> memref<128x256xi32, #tpu.memory_space<hbm>>
    tpu.wait_dma2 semaphore(%arg11 : memref<!tpu.dma_semaphore, #tpu.memory_space<semaphore_mem>>) src(%arg6 : memref<128x256xi32, #tpu.memory_space<vmem>>) dst(%dma_wait3A_487 : memref<128x256xi32, #tpu.memory_space<hbm>>)
    %add3A_488 = arith.constant 3328 : i32
    %add3A_489 = arith.addi %mul3A_2, %add3A_488 : i32
    %dma_wait3A_490 = arith.constant 0 : i32
    %dma_wait3A_491 = tpu.memref_slice %arg5[%add3A_489, %dma_wait3A_490] : memref<131072x256xi32, #tpu.memory_space<hbm>> -> memref<128x256xi32, #tpu.memory_space<hbm>>
    %dma_wait3A_492 = arith.constant 0 : i32
    %dma_wait3A_493 = tpu.memref_slice %arg5[%add3A_489, %dma_wait3A_492] : memref<131072x256xi32, #tpu.memory_space<hbm>> -> memref<128x256xi32, #tpu.memory_space<hbm>>
    tpu.wait_dma2 semaphore(%arg11 : memref<!tpu.dma_semaphore, #tpu.memory_space<semaphore_mem>>) src(%arg6 : memref<128x256xi32, #tpu.memory_space<vmem>>) dst(%dma_wait3A_493 : memref<128x256xi32, #tpu.memory_space<hbm>>)
    %add3A_494 = arith.constant 3456 : i32
    %add3A_495 = arith.addi %mul3A_2, %add3A_494 : i32
    %dma_wait3A_496 = arith.constant 0 : i32
    %dma_wait3A_497 = tpu.memref_slice %arg5[%add3A_495, %dma_wait3A_496] : memref<131072x256xi32, #tpu.memory_space<hbm>> -> memref<128x256xi32, #tpu.memory_space<hbm>>
    %dma_wait3A_498 = arith.constant 0 : i32
    %dma_wait3A_499 = tpu.memref_slice %arg5[%add3A_495, %dma_wait3A_498] : memref<131072x256xi32, #tpu.memory_space<hbm>> -> memref<128x256xi32, #tpu.memory_space<hbm>>
    tpu.wait_dma2 semaphore(%arg11 : memref<!tpu.dma_semaphore, #tpu.memory_space<semaphore_mem>>) src(%arg6 : memref<128x256xi32, #tpu.memory_space<vmem>>) dst(%dma_wait3A_499 : memref<128x256xi32, #tpu.memory_space<hbm>>)
    %add3A_500 = arith.constant 3584 : i32
    %add3A_501 = arith.addi %mul3A_2, %add3A_500 : i32
    %dma_wait3A_502 = arith.constant 0 : i32
    %dma_wait3A_503 = tpu.memref_slice %arg5[%add3A_501, %dma_wait3A_502] : memref<131072x256xi32, #tpu.memory_space<hbm>> -> memref<128x256xi32, #tpu.memory_space<hbm>>
    %dma_wait3A_504 = arith.constant 0 : i32
    %dma_wait3A_505 = tpu.memref_slice %arg5[%add3A_501, %dma_wait3A_504] : memref<131072x256xi32, #tpu.memory_space<hbm>> -> memref<128x256xi32, #tpu.memory_space<hbm>>
    tpu.wait_dma2 semaphore(%arg11 : memref<!tpu.dma_semaphore, #tpu.memory_space<semaphore_mem>>) src(%arg6 : memref<128x256xi32, #tpu.memory_space<vmem>>) dst(%dma_wait3A_505 : memref<128x256xi32, #tpu.memory_space<hbm>>)
    %add3A_506 = arith.constant 3712 : i32
    %add3A_507 = arith.addi %mul3A_2, %add3A_506 : i32
    %dma_wait3A_508 = arith.constant 0 : i32
    %dma_wait3A_509 = tpu.memref_slice %arg5[%add3A_507, %dma_wait3A_508] : memref<131072x256xi32, #tpu.memory_space<hbm>> -> memref<128x256xi32, #tpu.memory_space<hbm>>
    %dma_wait3A_510 = arith.constant 0 : i32
    %dma_wait3A_511 = tpu.memref_slice %arg5[%add3A_507, %dma_wait3A_510] : memref<131072x256xi32, #tpu.memory_space<hbm>> -> memref<128x256xi32, #tpu.memory_space<hbm>>
    tpu.wait_dma2 semaphore(%arg11 : memref<!tpu.dma_semaphore, #tpu.memory_space<semaphore_mem>>) src(%arg6 : memref<128x256xi32, #tpu.memory_space<vmem>>) dst(%dma_wait3A_511 : memref<128x256xi32, #tpu.memory_space<hbm>>)
    %add3A_512 = arith.constant 3840 : i32
    %add3A_513 = arith.addi %mul3A_2, %add3A_512 : i32
    %dma_wait3A_514 = arith.constant 0 : i32
    %dma_wait3A_515 = tpu.memref_slice %arg5[%add3A_513, %dma_wait3A_514] : memref<131072x256xi32, #tpu.memory_space<hbm>> -> memref<128x256xi32, #tpu.memory_space<hbm>>
    %dma_wait3A_516 = arith.constant 0 : i32
    %dma_wait3A_517 = tpu.memref_slice %arg5[%add3A_513, %dma_wait3A_516] : memref<131072x256xi32, #tpu.memory_space<hbm>> -> memref<128x256xi32, #tpu.memory_space<hbm>>
    tpu.wait_dma2 semaphore(%arg11 : memref<!tpu.dma_semaphore, #tpu.memory_space<semaphore_mem>>) src(%arg6 : memref<128x256xi32, #tpu.memory_space<vmem>>) dst(%dma_wait3A_517 : memref<128x256xi32, #tpu.memory_space<hbm>>)
    %add3A_518 = arith.constant 3968 : i32
    %add3A_519 = arith.addi %mul3A_2, %add3A_518 : i32
    %dma_wait3A_520 = arith.constant 0 : i32
    %dma_wait3A_521 = tpu.memref_slice %arg5[%add3A_519, %dma_wait3A_520] : memref<131072x256xi32, #tpu.memory_space<hbm>> -> memref<128x256xi32, #tpu.memory_space<hbm>>
    %dma_wait3A_522 = arith.constant 0 : i32
    %dma_wait3A_523 = tpu.memref_slice %arg5[%add3A_519, %dma_wait3A_522] : memref<131072x256xi32, #tpu.memory_space<hbm>> -> memref<128x256xi32, #tpu.memory_space<hbm>>
    tpu.wait_dma2 semaphore(%arg11 : memref<!tpu.dma_semaphore, #tpu.memory_space<semaphore_mem>>) src(%arg6 : memref<128x256xi32, #tpu.memory_space<vmem>>) dst(%dma_wait3A_523 : memref<128x256xi32, #tpu.memory_space<hbm>>)
    %dma_start3A_524 = arith.constant 0 : i32
    %dma_start3A_525 = arith.constant 0 : i32
    %dma_start3A_526 = tpu.memref_slice %arg5[%dma_start3A_524, %dma_start3A_525] : memref<131072x256xi32, #tpu.memory_space<hbm>> -> memref<131072x256xi32, #tpu.memory_space<hbm>>
    tpu.enqueue_indirect_dma source(%arg10 : memref<64x256xi32, #tpu.memory_space<vmem>>) target(%dma_start3A_526 : memref<131072x256xi32, #tpu.memory_space<hbm>>) offsets(%arg9 : memref<64xi32, #tpu.memory_space<vmem>>) semaphore(%arg13 : memref<!tpu.dma_semaphore, #tpu.memory_space<semaphore_mem>>)
    %dma_wait3A_527 = arith.constant 0 : i32
    %dma_wait3A_528 = arith.constant 0 : i32
    %dma_wait3A_529 = tpu.memref_slice %arg5[%dma_wait3A_527, %dma_wait3A_528] : memref<131072x256xi32, #tpu.memory_space<hbm>> -> memref<131072x256xi32, #tpu.memory_space<hbm>>
    tpu.wait_indirect_dma semaphore(%arg13 : memref<!tpu.dma_semaphore, #tpu.memory_space<semaphore_mem>>) src(%arg10 : memref<64x256xi32, #tpu.memory_space<vmem>>) dst(%dma_wait3A_529 : memref<131072x256xi32, #tpu.memory_space<hbm>>)
    return
  }
}

module attributes {stable_mosaic.version = 14 : i64} {
  func.func @_routing_kernel(%arg0: memref<2048x1024xf32, #tpu.memory_space<vmem>>, %arg1: memref<64x1024xf32, #tpu.memory_space<vmem>>, %arg2: memref<2048x1xi32, #tpu.memory_space<vmem>>, %arg3: memref<2048x1xf32, #tpu.memory_space<vmem>>, %arg4: memref<1x1xf32, #tpu.memory_space<vmem>>) attributes {dimension_semantics = [], scalar_prefetch = 0 : i64, scratch_operands = 0 : i64, tpu.core_type = #tpu.core_type<tc>} {
    %get3A = arith.constant 0 : index
    %get3A_0 = arith.constant 0 : index
    %get3A_1 = vector.load %arg0[%get3A, %get3A_0] : memref<2048x1024xf32, #tpu.memory_space<vmem>>, vector<2048x1024xf32>
    %get3A_2 = arith.constant 0 : index
    %get3A_3 = arith.constant 0 : index
    %get3A_4 = vector.load %arg1[%get3A_2, %get3A_3] : memref<64x1024xf32, #tpu.memory_space<vmem>>, vector<64x1024xf32>
    %dot_general3A = arith.constant dense<0.000000e+00> : vector<2048x64xf32>
    %dot_general3A_5 = tpu.matmul %get3A_1, %get3A_4, %dot_general3A {dimension_numbers = #tpu.dot_dimension_numbers<[1], [1], [0], [0], [0, 0, 1, 0], [], []>, transpose_lhs_hint = false} : vector<2048x1024xf32>, vector<64x1024xf32>, vector<2048x64xf32> -> vector<2048x64xf32>
    %iota3A = tpu.iota {dimensions = array<i32: 1>} : vector<2048x64xi32>
    %eq3A = arith.constant 0 : i32
    %eq3A_6 = vector.broadcast %eq3A : i32 to vector<2048x64xi32>
    %eq3A_7 = arith.cmpi eq, %iota3A, %eq3A_6 : vector<2048x64xi32>
    %jit3A = arith.constant -1.000000e+09 : f32
    %broadcast_in_dim3A = vector.broadcast %jit3A : f32 to vector<2048x64xf32>
    %select_n3A = arith.select %eq3A_7, %broadcast_in_dim3A, %dot_general3A_5 : vector<2048x64xi1>, vector<2048x64xf32>
    %reduce_max3A = arith.constant dense<0xFF800000> : vector<2048xf32>
    %reduce_max3A_8 = vector.multi_reduction <maximumf>, %select_n3A, %reduce_max3A [1] : vector<2048x64xf32> to vector<2048xf32>
    %broadcast_in_dim3A_9 = vector.shape_cast %reduce_max3A_8 : vector<2048xf32> to vector<2048x1xf32>
    %sub3A = vector.broadcast %broadcast_in_dim3A_9 : vector<2048x1xf32> to vector<2048x64xf32>
    %sub3A_10 = arith.subf %select_n3A, %sub3A : vector<2048x64xf32>
    %exp3A = math.exp %sub3A_10 : vector<2048x64xf32>
    %reduce_sum3A = arith.constant dense<0.000000e+00> : vector<2048xf32>
    %reduce_sum3A_11 = vector.multi_reduction <add>, %exp3A, %reduce_sum3A [1] : vector<2048x64xf32> to vector<2048xf32>
    %broadcast_in_dim3A_12 = vector.shape_cast %reduce_sum3A_11 : vector<2048xf32> to vector<2048x1xf32>
    %div3A = vector.broadcast %broadcast_in_dim3A_12 : vector<2048x1xf32> to vector<2048x64xf32>
    %div3A_13 = arith.divf %exp3A, %div3A : vector<2048x64xf32>
    %reduce_max3A_14 = arith.constant dense<0xFF800000> : vector<2048xf32>
    %reduce_max3A_15 = vector.multi_reduction <maximumf>, %div3A_13, %reduce_max3A_14 [1] : vector<2048x64xf32> to vector<2048xf32>
    %broadcast_in_dim3A_16 = vector.shape_cast %reduce_max3A_15 : vector<2048xf32> to vector<2048x1xf32>
    %eq3A_17 = vector.broadcast %broadcast_in_dim3A_16 : vector<2048x1xf32> to vector<2048x64xf32>
    %eq3A_18 = arith.cmpf oeq, %div3A_13, %eq3A_17 : vector<2048x64xf32>
    %jit3A_19 = arith.constant 64 : i32
    %broadcast_in_dim3A_20 = vector.broadcast %jit3A_19 : i32 to vector<2048x64xi32>
    %select_n3A_21 = arith.select %eq3A_18, %iota3A, %broadcast_in_dim3A_20 : vector<2048x64xi1>, vector<2048x64xi32>
    %reduce_min3A = arith.constant dense<2147483647> : vector<2048xi32>
    %reduce_min3A_22 = vector.multi_reduction <minsi>, %select_n3A_21, %reduce_min3A [1] : vector<2048x64xi32> to vector<2048xi32>
    %broadcast_in_dim3A_23 = vector.shape_cast %reduce_min3A_22 : vector<2048xi32> to vector<2048x1xi32>
    %eq3A_24 = vector.broadcast %broadcast_in_dim3A_23 : vector<2048x1xi32> to vector<2048x64xi32>
    %eq3A_25 = arith.cmpi eq, %iota3A, %eq3A_24 : vector<2048x64xi32>
    %jit3A_26 = arith.constant 1.000000e+00 : f32
    %jit3A_27 = arith.constant 0.000000e+00 : f32
    %broadcast_in_dim3A_28 = vector.broadcast %jit3A_26 : f32 to vector<2048x64xf32>
    %broadcast_in_dim3A_29 = vector.broadcast %jit3A_27 : f32 to vector<2048x64xf32>
    %select_n3A_30 = arith.select %eq3A_25, %broadcast_in_dim3A_28, %broadcast_in_dim3A_29 : vector<2048x64xi1>, vector<2048x64xf32>
    %iota3A_31 = tpu.iota {dimensions = array<i32: 0>} : vector<128x128xi32>
    %iota3A_32 = tpu.iota {dimensions = array<i32: 1>} : vector<128x128xi32>
    %ge3A = arith.cmpi sge, %iota3A_31, %iota3A_32 : vector<128x128xi32>
    %jit3A_33 = arith.constant 1.000000e+00 : f32
    %jit3A_34 = arith.constant 0.000000e+00 : f32
    %broadcast_in_dim3A_35 = vector.broadcast %jit3A_33 : f32 to vector<128x128xf32>
    %broadcast_in_dim3A_36 = vector.broadcast %jit3A_34 : f32 to vector<128x128xf32>
    %select_n3A_37 = arith.select %ge3A, %broadcast_in_dim3A_35, %broadcast_in_dim3A_36 : vector<128x128xi1>, vector<128x128xf32>
    %broadcast_in_dim3A_38 = arith.constant 0.000000e+00 : f32
    %broadcast_in_dim3A_39 = vector.broadcast %broadcast_in_dim3A_38 : f32 to vector<1x64xf32>
    %slice3A = vector.extract_strided_slice %select_n3A_30 {offsets = [0, 0], sizes = [128, 64], strides = [1, 1]} : vector<2048x64xf32> to vector<128x64xf32>
    %dot_general3A_40 = arith.constant dense<0.000000e+00> : vector<128x64xf32>
    %dot_general3A_41 = tpu.matmul %select_n3A_37, %slice3A, %dot_general3A_40 {dimension_numbers = #tpu.dot_dimension_numbers<[1], [0], [0], [1], [0, 0, 1, 1], [], []>, transpose_lhs_hint = false} : vector<128x128xf32>, vector<128x64xf32>, vector<128x64xf32> -> vector<128x64xf32>
    %add3A = vector.broadcast %broadcast_in_dim3A_39 : vector<1x64xf32> to vector<128x64xf32>
    %add3A_42 = arith.addf %dot_general3A_41, %add3A : vector<128x64xf32>
    %sub3A_43 = arith.constant 1.000000e+00 : f32
    %sub3A_44 = vector.broadcast %sub3A_43 : f32 to vector<128x64xf32>
    %sub3A_45 = arith.subf %add3A_42, %sub3A_44 : vector<128x64xf32>
    %slice3A_46 = vector.extract_strided_slice %dot_general3A_41 {offsets = [127, 0], sizes = [1, 64], strides = [1, 1]} : vector<128x64xf32> to vector<1x64xf32>
    %add3A_47 = arith.addf %broadcast_in_dim3A_39, %slice3A_46 : vector<1x64xf32>
    %slice3A_48 = vector.extract_strided_slice %select_n3A_30 {offsets = [128, 0], sizes = [128, 64], strides = [1, 1]} : vector<2048x64xf32> to vector<128x64xf32>
    %dot_general3A_49 = arith.constant dense<0.000000e+00> : vector<128x64xf32>
    %dot_general3A_50 = tpu.matmul %select_n3A_37, %slice3A_48, %dot_general3A_49 {dimension_numbers = #tpu.dot_dimension_numbers<[1], [0], [0], [1], [0, 0, 1, 1], [], []>, transpose_lhs_hint = false} : vector<128x128xf32>, vector<128x64xf32>, vector<128x64xf32> -> vector<128x64xf32>
    %add3A_51 = vector.broadcast %add3A_47 : vector<1x64xf32> to vector<128x64xf32>
    %add3A_52 = arith.addf %dot_general3A_50, %add3A_51 : vector<128x64xf32>
    %sub3A_53 = arith.constant 1.000000e+00 : f32
    %sub3A_54 = vector.broadcast %sub3A_53 : f32 to vector<128x64xf32>
    %sub3A_55 = arith.subf %add3A_52, %sub3A_54 : vector<128x64xf32>
    %slice3A_56 = vector.extract_strided_slice %dot_general3A_50 {offsets = [127, 0], sizes = [1, 64], strides = [1, 1]} : vector<128x64xf32> to vector<1x64xf32>
    %add3A_57 = arith.addf %add3A_47, %slice3A_56 : vector<1x64xf32>
    %slice3A_58 = vector.extract_strided_slice %select_n3A_30 {offsets = [256, 0], sizes = [128, 64], strides = [1, 1]} : vector<2048x64xf32> to vector<128x64xf32>
    %dot_general3A_59 = arith.constant dense<0.000000e+00> : vector<128x64xf32>
    %dot_general3A_60 = tpu.matmul %select_n3A_37, %slice3A_58, %dot_general3A_59 {dimension_numbers = #tpu.dot_dimension_numbers<[1], [0], [0], [1], [0, 0, 1, 1], [], []>, transpose_lhs_hint = false} : vector<128x128xf32>, vector<128x64xf32>, vector<128x64xf32> -> vector<128x64xf32>
    %add3A_61 = vector.broadcast %add3A_57 : vector<1x64xf32> to vector<128x64xf32>
    %add3A_62 = arith.addf %dot_general3A_60, %add3A_61 : vector<128x64xf32>
    %sub3A_63 = arith.constant 1.000000e+00 : f32
    %sub3A_64 = vector.broadcast %sub3A_63 : f32 to vector<128x64xf32>
    %sub3A_65 = arith.subf %add3A_62, %sub3A_64 : vector<128x64xf32>
    %slice3A_66 = vector.extract_strided_slice %dot_general3A_60 {offsets = [127, 0], sizes = [1, 64], strides = [1, 1]} : vector<128x64xf32> to vector<1x64xf32>
    %add3A_67 = arith.addf %add3A_57, %slice3A_66 : vector<1x64xf32>
    %slice3A_68 = vector.extract_strided_slice %select_n3A_30 {offsets = [384, 0], sizes = [128, 64], strides = [1, 1]} : vector<2048x64xf32> to vector<128x64xf32>
    %dot_general3A_69 = arith.constant dense<0.000000e+00> : vector<128x64xf32>
    %dot_general3A_70 = tpu.matmul %select_n3A_37, %slice3A_68, %dot_general3A_69 {dimension_numbers = #tpu.dot_dimension_numbers<[1], [0], [0], [1], [0, 0, 1, 1], [], []>, transpose_lhs_hint = false} : vector<128x128xf32>, vector<128x64xf32>, vector<128x64xf32> -> vector<128x64xf32>
    %add3A_71 = vector.broadcast %add3A_67 : vector<1x64xf32> to vector<128x64xf32>
    %add3A_72 = arith.addf %dot_general3A_70, %add3A_71 : vector<128x64xf32>
    %sub3A_73 = arith.constant 1.000000e+00 : f32
    %sub3A_74 = vector.broadcast %sub3A_73 : f32 to vector<128x64xf32>
    %sub3A_75 = arith.subf %add3A_72, %sub3A_74 : vector<128x64xf32>
    %slice3A_76 = vector.extract_strided_slice %dot_general3A_70 {offsets = [127, 0], sizes = [1, 64], strides = [1, 1]} : vector<128x64xf32> to vector<1x64xf32>
    %add3A_77 = arith.addf %add3A_67, %slice3A_76 : vector<1x64xf32>
    %slice3A_78 = vector.extract_strided_slice %select_n3A_30 {offsets = [512, 0], sizes = [128, 64], strides = [1, 1]} : vector<2048x64xf32> to vector<128x64xf32>
    %dot_general3A_79 = arith.constant dense<0.000000e+00> : vector<128x64xf32>
    %dot_general3A_80 = tpu.matmul %select_n3A_37, %slice3A_78, %dot_general3A_79 {dimension_numbers = #tpu.dot_dimension_numbers<[1], [0], [0], [1], [0, 0, 1, 1], [], []>, transpose_lhs_hint = false} : vector<128x128xf32>, vector<128x64xf32>, vector<128x64xf32> -> vector<128x64xf32>
    %add3A_81 = vector.broadcast %add3A_77 : vector<1x64xf32> to vector<128x64xf32>
    %add3A_82 = arith.addf %dot_general3A_80, %add3A_81 : vector<128x64xf32>
    %sub3A_83 = arith.constant 1.000000e+00 : f32
    %sub3A_84 = vector.broadcast %sub3A_83 : f32 to vector<128x64xf32>
    %sub3A_85 = arith.subf %add3A_82, %sub3A_84 : vector<128x64xf32>
    %slice3A_86 = vector.extract_strided_slice %dot_general3A_80 {offsets = [127, 0], sizes = [1, 64], strides = [1, 1]} : vector<128x64xf32> to vector<1x64xf32>
    %add3A_87 = arith.addf %add3A_77, %slice3A_86 : vector<1x64xf32>
    %slice3A_88 = vector.extract_strided_slice %select_n3A_30 {offsets = [640, 0], sizes = [128, 64], strides = [1, 1]} : vector<2048x64xf32> to vector<128x64xf32>
    %dot_general3A_89 = arith.constant dense<0.000000e+00> : vector<128x64xf32>
    %dot_general3A_90 = tpu.matmul %select_n3A_37, %slice3A_88, %dot_general3A_89 {dimension_numbers = #tpu.dot_dimension_numbers<[1], [0], [0], [1], [0, 0, 1, 1], [], []>, transpose_lhs_hint = false} : vector<128x128xf32>, vector<128x64xf32>, vector<128x64xf32> -> vector<128x64xf32>
    %add3A_91 = vector.broadcast %add3A_87 : vector<1x64xf32> to vector<128x64xf32>
    %add3A_92 = arith.addf %dot_general3A_90, %add3A_91 : vector<128x64xf32>
    %sub3A_93 = arith.constant 1.000000e+00 : f32
    %sub3A_94 = vector.broadcast %sub3A_93 : f32 to vector<128x64xf32>
    %sub3A_95 = arith.subf %add3A_92, %sub3A_94 : vector<128x64xf32>
    %slice3A_96 = vector.extract_strided_slice %dot_general3A_90 {offsets = [127, 0], sizes = [1, 64], strides = [1, 1]} : vector<128x64xf32> to vector<1x64xf32>
    %add3A_97 = arith.addf %add3A_87, %slice3A_96 : vector<1x64xf32>
    %slice3A_98 = vector.extract_strided_slice %select_n3A_30 {offsets = [768, 0], sizes = [128, 64], strides = [1, 1]} : vector<2048x64xf32> to vector<128x64xf32>
    %dot_general3A_99 = arith.constant dense<0.000000e+00> : vector<128x64xf32>
    %dot_general3A_100 = tpu.matmul %select_n3A_37, %slice3A_98, %dot_general3A_99 {dimension_numbers = #tpu.dot_dimension_numbers<[1], [0], [0], [1], [0, 0, 1, 1], [], []>, transpose_lhs_hint = false} : vector<128x128xf32>, vector<128x64xf32>, vector<128x64xf32> -> vector<128x64xf32>
    %add3A_101 = vector.broadcast %add3A_97 : vector<1x64xf32> to vector<128x64xf32>
    %add3A_102 = arith.addf %dot_general3A_100, %add3A_101 : vector<128x64xf32>
    %sub3A_103 = arith.constant 1.000000e+00 : f32
    %sub3A_104 = vector.broadcast %sub3A_103 : f32 to vector<128x64xf32>
    %sub3A_105 = arith.subf %add3A_102, %sub3A_104 : vector<128x64xf32>
    %slice3A_106 = vector.extract_strided_slice %dot_general3A_100 {offsets = [127, 0], sizes = [1, 64], strides = [1, 1]} : vector<128x64xf32> to vector<1x64xf32>
    %add3A_107 = arith.addf %add3A_97, %slice3A_106 : vector<1x64xf32>
    %slice3A_108 = vector.extract_strided_slice %select_n3A_30 {offsets = [896, 0], sizes = [128, 64], strides = [1, 1]} : vector<2048x64xf32> to vector<128x64xf32>
    %dot_general3A_109 = arith.constant dense<0.000000e+00> : vector<128x64xf32>
    %dot_general3A_110 = tpu.matmul %select_n3A_37, %slice3A_108, %dot_general3A_109 {dimension_numbers = #tpu.dot_dimension_numbers<[1], [0], [0], [1], [0, 0, 1, 1], [], []>, transpose_lhs_hint = false} : vector<128x128xf32>, vector<128x64xf32>, vector<128x64xf32> -> vector<128x64xf32>
    %add3A_111 = vector.broadcast %add3A_107 : vector<1x64xf32> to vector<128x64xf32>
    %add3A_112 = arith.addf %dot_general3A_110, %add3A_111 : vector<128x64xf32>
    %sub3A_113 = arith.constant 1.000000e+00 : f32
    %sub3A_114 = vector.broadcast %sub3A_113 : f32 to vector<128x64xf32>
    %sub3A_115 = arith.subf %add3A_112, %sub3A_114 : vector<128x64xf32>
    %slice3A_116 = vector.extract_strided_slice %dot_general3A_110 {offsets = [127, 0], sizes = [1, 64], strides = [1, 1]} : vector<128x64xf32> to vector<1x64xf32>
    %add3A_117 = arith.addf %add3A_107, %slice3A_116 : vector<1x64xf32>
    %slice3A_118 = vector.extract_strided_slice %select_n3A_30 {offsets = [1024, 0], sizes = [128, 64], strides = [1, 1]} : vector<2048x64xf32> to vector<128x64xf32>
    %dot_general3A_119 = arith.constant dense<0.000000e+00> : vector<128x64xf32>
    %dot_general3A_120 = tpu.matmul %select_n3A_37, %slice3A_118, %dot_general3A_119 {dimension_numbers = #tpu.dot_dimension_numbers<[1], [0], [0], [1], [0, 0, 1, 1], [], []>, transpose_lhs_hint = false} : vector<128x128xf32>, vector<128x64xf32>, vector<128x64xf32> -> vector<128x64xf32>
    %add3A_121 = vector.broadcast %add3A_117 : vector<1x64xf32> to vector<128x64xf32>
    %add3A_122 = arith.addf %dot_general3A_120, %add3A_121 : vector<128x64xf32>
    %sub3A_123 = arith.constant 1.000000e+00 : f32
    %sub3A_124 = vector.broadcast %sub3A_123 : f32 to vector<128x64xf32>
    %sub3A_125 = arith.subf %add3A_122, %sub3A_124 : vector<128x64xf32>
    %slice3A_126 = vector.extract_strided_slice %dot_general3A_120 {offsets = [127, 0], sizes = [1, 64], strides = [1, 1]} : vector<128x64xf32> to vector<1x64xf32>
    %add3A_127 = arith.addf %add3A_117, %slice3A_126 : vector<1x64xf32>
    %slice3A_128 = vector.extract_strided_slice %select_n3A_30 {offsets = [1152, 0], sizes = [128, 64], strides = [1, 1]} : vector<2048x64xf32> to vector<128x64xf32>
    %dot_general3A_129 = arith.constant dense<0.000000e+00> : vector<128x64xf32>
    %dot_general3A_130 = tpu.matmul %select_n3A_37, %slice3A_128, %dot_general3A_129 {dimension_numbers = #tpu.dot_dimension_numbers<[1], [0], [0], [1], [0, 0, 1, 1], [], []>, transpose_lhs_hint = false} : vector<128x128xf32>, vector<128x64xf32>, vector<128x64xf32> -> vector<128x64xf32>
    %add3A_131 = vector.broadcast %add3A_127 : vector<1x64xf32> to vector<128x64xf32>
    %add3A_132 = arith.addf %dot_general3A_130, %add3A_131 : vector<128x64xf32>
    %sub3A_133 = arith.constant 1.000000e+00 : f32
    %sub3A_134 = vector.broadcast %sub3A_133 : f32 to vector<128x64xf32>
    %sub3A_135 = arith.subf %add3A_132, %sub3A_134 : vector<128x64xf32>
    %slice3A_136 = vector.extract_strided_slice %dot_general3A_130 {offsets = [127, 0], sizes = [1, 64], strides = [1, 1]} : vector<128x64xf32> to vector<1x64xf32>
    %add3A_137 = arith.addf %add3A_127, %slice3A_136 : vector<1x64xf32>
    %slice3A_138 = vector.extract_strided_slice %select_n3A_30 {offsets = [1280, 0], sizes = [128, 64], strides = [1, 1]} : vector<2048x64xf32> to vector<128x64xf32>
    %dot_general3A_139 = arith.constant dense<0.000000e+00> : vector<128x64xf32>
    %dot_general3A_140 = tpu.matmul %select_n3A_37, %slice3A_138, %dot_general3A_139 {dimension_numbers = #tpu.dot_dimension_numbers<[1], [0], [0], [1], [0, 0, 1, 1], [], []>, transpose_lhs_hint = false} : vector<128x128xf32>, vector<128x64xf32>, vector<128x64xf32> -> vector<128x64xf32>
    %add3A_141 = vector.broadcast %add3A_137 : vector<1x64xf32> to vector<128x64xf32>
    %add3A_142 = arith.addf %dot_general3A_140, %add3A_141 : vector<128x64xf32>
    %sub3A_143 = arith.constant 1.000000e+00 : f32
    %sub3A_144 = vector.broadcast %sub3A_143 : f32 to vector<128x64xf32>
    %sub3A_145 = arith.subf %add3A_142, %sub3A_144 : vector<128x64xf32>
    %slice3A_146 = vector.extract_strided_slice %dot_general3A_140 {offsets = [127, 0], sizes = [1, 64], strides = [1, 1]} : vector<128x64xf32> to vector<1x64xf32>
    %add3A_147 = arith.addf %add3A_137, %slice3A_146 : vector<1x64xf32>
    %slice3A_148 = vector.extract_strided_slice %select_n3A_30 {offsets = [1408, 0], sizes = [128, 64], strides = [1, 1]} : vector<2048x64xf32> to vector<128x64xf32>
    %dot_general3A_149 = arith.constant dense<0.000000e+00> : vector<128x64xf32>
    %dot_general3A_150 = tpu.matmul %select_n3A_37, %slice3A_148, %dot_general3A_149 {dimension_numbers = #tpu.dot_dimension_numbers<[1], [0], [0], [1], [0, 0, 1, 1], [], []>, transpose_lhs_hint = false} : vector<128x128xf32>, vector<128x64xf32>, vector<128x64xf32> -> vector<128x64xf32>
    %add3A_151 = vector.broadcast %add3A_147 : vector<1x64xf32> to vector<128x64xf32>
    %add3A_152 = arith.addf %dot_general3A_150, %add3A_151 : vector<128x64xf32>
    %sub3A_153 = arith.constant 1.000000e+00 : f32
    %sub3A_154 = vector.broadcast %sub3A_153 : f32 to vector<128x64xf32>
    %sub3A_155 = arith.subf %add3A_152, %sub3A_154 : vector<128x64xf32>
    %slice3A_156 = vector.extract_strided_slice %dot_general3A_150 {offsets = [127, 0], sizes = [1, 64], strides = [1, 1]} : vector<128x64xf32> to vector<1x64xf32>
    %add3A_157 = arith.addf %add3A_147, %slice3A_156 : vector<1x64xf32>
    %slice3A_158 = vector.extract_strided_slice %select_n3A_30 {offsets = [1536, 0], sizes = [128, 64], strides = [1, 1]} : vector<2048x64xf32> to vector<128x64xf32>
    %dot_general3A_159 = arith.constant dense<0.000000e+00> : vector<128x64xf32>
    %dot_general3A_160 = tpu.matmul %select_n3A_37, %slice3A_158, %dot_general3A_159 {dimension_numbers = #tpu.dot_dimension_numbers<[1], [0], [0], [1], [0, 0, 1, 1], [], []>, transpose_lhs_hint = false} : vector<128x128xf32>, vector<128x64xf32>, vector<128x64xf32> -> vector<128x64xf32>
    %add3A_161 = vector.broadcast %add3A_157 : vector<1x64xf32> to vector<128x64xf32>
    %add3A_162 = arith.addf %dot_general3A_160, %add3A_161 : vector<128x64xf32>
    %sub3A_163 = arith.constant 1.000000e+00 : f32
    %sub3A_164 = vector.broadcast %sub3A_163 : f32 to vector<128x64xf32>
    %sub3A_165 = arith.subf %add3A_162, %sub3A_164 : vector<128x64xf32>
    %slice3A_166 = vector.extract_strided_slice %dot_general3A_160 {offsets = [127, 0], sizes = [1, 64], strides = [1, 1]} : vector<128x64xf32> to vector<1x64xf32>
    %add3A_167 = arith.addf %add3A_157, %slice3A_166 : vector<1x64xf32>
    %slice3A_168 = vector.extract_strided_slice %select_n3A_30 {offsets = [1664, 0], sizes = [128, 64], strides = [1, 1]} : vector<2048x64xf32> to vector<128x64xf32>
    %dot_general3A_169 = arith.constant dense<0.000000e+00> : vector<128x64xf32>
    %dot_general3A_170 = tpu.matmul %select_n3A_37, %slice3A_168, %dot_general3A_169 {dimension_numbers = #tpu.dot_dimension_numbers<[1], [0], [0], [1], [0, 0, 1, 1], [], []>, transpose_lhs_hint = false} : vector<128x128xf32>, vector<128x64xf32>, vector<128x64xf32> -> vector<128x64xf32>
    %add3A_171 = vector.broadcast %add3A_167 : vector<1x64xf32> to vector<128x64xf32>
    %add3A_172 = arith.addf %dot_general3A_170, %add3A_171 : vector<128x64xf32>
    %sub3A_173 = arith.constant 1.000000e+00 : f32
    %sub3A_174 = vector.broadcast %sub3A_173 : f32 to vector<128x64xf32>
    %sub3A_175 = arith.subf %add3A_172, %sub3A_174 : vector<128x64xf32>
    %slice3A_176 = vector.extract_strided_slice %dot_general3A_170 {offsets = [127, 0], sizes = [1, 64], strides = [1, 1]} : vector<128x64xf32> to vector<1x64xf32>
    %add3A_177 = arith.addf %add3A_167, %slice3A_176 : vector<1x64xf32>
    %slice3A_178 = vector.extract_strided_slice %select_n3A_30 {offsets = [1792, 0], sizes = [128, 64], strides = [1, 1]} : vector<2048x64xf32> to vector<128x64xf32>
    %dot_general3A_179 = arith.constant dense<0.000000e+00> : vector<128x64xf32>
    %dot_general3A_180 = tpu.matmul %select_n3A_37, %slice3A_178, %dot_general3A_179 {dimension_numbers = #tpu.dot_dimension_numbers<[1], [0], [0], [1], [0, 0, 1, 1], [], []>, transpose_lhs_hint = false} : vector<128x128xf32>, vector<128x64xf32>, vector<128x64xf32> -> vector<128x64xf32>
    %add3A_181 = vector.broadcast %add3A_177 : vector<1x64xf32> to vector<128x64xf32>
    %add3A_182 = arith.addf %dot_general3A_180, %add3A_181 : vector<128x64xf32>
    %sub3A_183 = arith.constant 1.000000e+00 : f32
    %sub3A_184 = vector.broadcast %sub3A_183 : f32 to vector<128x64xf32>
    %sub3A_185 = arith.subf %add3A_182, %sub3A_184 : vector<128x64xf32>
    %slice3A_186 = vector.extract_strided_slice %dot_general3A_180 {offsets = [127, 0], sizes = [1, 64], strides = [1, 1]} : vector<128x64xf32> to vector<1x64xf32>
    %add3A_187 = arith.addf %add3A_177, %slice3A_186 : vector<1x64xf32>
    %slice3A_188 = vector.extract_strided_slice %select_n3A_30 {offsets = [1920, 0], sizes = [128, 64], strides = [1, 1]} : vector<2048x64xf32> to vector<128x64xf32>
    %dot_general3A_189 = arith.constant dense<0.000000e+00> : vector<128x64xf32>
    %dot_general3A_190 = tpu.matmul %select_n3A_37, %slice3A_188, %dot_general3A_189 {dimension_numbers = #tpu.dot_dimension_numbers<[1], [0], [0], [1], [0, 0, 1, 1], [], []>, transpose_lhs_hint = false} : vector<128x128xf32>, vector<128x64xf32>, vector<128x64xf32> -> vector<128x64xf32>
    %add3A_191 = vector.broadcast %add3A_187 : vector<1x64xf32> to vector<128x64xf32>
    %add3A_192 = arith.addf %dot_general3A_190, %add3A_191 : vector<128x64xf32>
    %sub3A_193 = arith.constant 1.000000e+00 : f32
    %sub3A_194 = vector.broadcast %sub3A_193 : f32 to vector<128x64xf32>
    %sub3A_195 = arith.subf %add3A_192, %sub3A_194 : vector<128x64xf32>
    %concatenate3A = tpu.concatenate %sub3A_45, %sub3A_55, %sub3A_65, %sub3A_75, %sub3A_85, %sub3A_95, %sub3A_105, %sub3A_115, %sub3A_125, %sub3A_135, %sub3A_145, %sub3A_155, %sub3A_165, %sub3A_175, %sub3A_185, %sub3A_195 in 0 : vector<128x64xf32>, vector<128x64xf32>, vector<128x64xf32>, vector<128x64xf32>, vector<128x64xf32>, vector<128x64xf32>, vector<128x64xf32>, vector<128x64xf32>, vector<128x64xf32>, vector<128x64xf32>, vector<128x64xf32>, vector<128x64xf32>, vector<128x64xf32>, vector<128x64xf32>, vector<128x64xf32>, vector<128x64xf32> -> vector<2048x64xf32>
    %mul3A = arith.mulf %concatenate3A, %select_n3A_30 : vector<2048x64xf32>
    %reduce_sum3A_196 = arith.constant dense<0.000000e+00> : vector<2048xf32>
    %reduce_sum3A_197 = vector.multi_reduction <add>, %mul3A, %reduce_sum3A_196 [1] : vector<2048x64xf32> to vector<2048xf32>
    %broadcast_in_dim3A_198 = vector.shape_cast %reduce_sum3A_197 : vector<2048xf32> to vector<2048x1xf32>
    %lt3A = arith.constant 2.560000e+02 : f32
    %lt3A_199 = vector.broadcast %lt3A : f32 to vector<2048x1xf32>
    %lt3A_200 = arith.cmpf olt, %broadcast_in_dim3A_198, %lt3A_199 : vector<2048x1xf32>
    %mul3A_201 = arith.constant 256 : i32
    %mul3A_202 = vector.broadcast %mul3A_201 : i32 to vector<2048x1xi32>
    %mul3A_203 = arith.muli %broadcast_in_dim3A_23, %mul3A_202 : vector<2048x1xi32>
    %convert_element_type3A = arith.fptosi %broadcast_in_dim3A_198 : vector<2048x1xf32> to vector<2048x1xi32>
    %add3A_204 = arith.addi %mul3A_203, %convert_element_type3A : vector<2048x1xi32>
    %jit3A_205 = arith.constant -1 : i32
    %broadcast_in_dim3A_206 = vector.broadcast %jit3A_205 : i32 to vector<2048x1xi32>
    %select_n3A_207 = arith.select %lt3A_200, %add3A_204, %broadcast_in_dim3A_206 : vector<2048x1xi1>, vector<2048x1xi32>
    %swap3A = arith.constant 0 : index
    %swap3A_208 = arith.constant 0 : index
    %swap3A_209 = vector.load %arg2[%swap3A, %swap3A_208] : memref<2048x1xi32, #tpu.memory_space<vmem>>, vector<2048x1xi32>
    tpu.vector_store %arg2[%swap3A, %swap3A_208], %select_n3A_207 {strides = array<i32>} : memref<2048x1xi32, #tpu.memory_space<vmem>>, vector<2048x1xi32>,
    %jit3A_210 = arith.constant 0.000000e+00 : f32
    %broadcast_in_dim3A_211 = vector.broadcast %jit3A_210 : f32 to vector<2048x1xf32>
    %select_n3A_212 = arith.select %lt3A_200, %broadcast_in_dim3A_16, %broadcast_in_dim3A_211 : vector<2048x1xi1>, vector<2048x1xf32>
    %swap3A_213 = arith.constant 0 : index
    %swap3A_214 = arith.constant 0 : index
    %swap3A_215 = vector.load %arg3[%swap3A_213, %swap3A_214] : memref<2048x1xf32, #tpu.memory_space<vmem>>, vector<2048x1xf32>
    tpu.vector_store %arg3[%swap3A_213, %swap3A_214], %select_n3A_212 {strides = array<i32>} : memref<2048x1xf32, #tpu.memory_space<vmem>>, vector<2048x1xf32>,
    %reduce_sum3A_216 = arith.constant dense<0.000000e+00> : vector<64xf32>
    %reduce_sum3A_217 = vector.multi_reduction <add>, %div3A_13, %reduce_sum3A_216 [0] : vector<2048x64xf32> to vector<64xf32>
    %broadcast_in_dim3A_218 = vector.shape_cast %reduce_sum3A_217 : vector<64xf32> to vector<1x64xf32>
    %reduce_sum3A_219 = arith.constant dense<0.000000e+00> : vector<64xf32>
    %reduce_sum3A_220 = vector.multi_reduction <add>, %select_n3A_30, %reduce_sum3A_219 [0] : vector<2048x64xf32> to vector<64xf32>
    %broadcast_in_dim3A_221 = vector.shape_cast %reduce_sum3A_220 : vector<64xf32> to vector<1x64xf32>
    %mul3A_222 = arith.mulf %broadcast_in_dim3A_218, %broadcast_in_dim3A_221 : vector<1x64xf32>
    %reduce_sum3A_223 = arith.constant dense<0.000000e+00> : vector<1xf32>
    %reduce_sum3A_224 = vector.multi_reduction <add>, %mul3A_222, %reduce_sum3A_223 [1] : vector<1x64xf32> to vector<1xf32>
    %broadcast_in_dim3A_225 = vector.shape_cast %reduce_sum3A_224 : vector<1xf32> to vector<1x1xf32>
    %mul3A_226 = arith.constant 6.10351563E-5 : f32
    %mul3A_227 = vector.broadcast %mul3A_226 : f32 to vector<1x1xf32>
    %mul3A_228 = arith.mulf %broadcast_in_dim3A_225, %mul3A_227 : vector<1x1xf32>
    %swap3A_229 = arith.constant 0 : index
    %swap3A_230 = arith.constant 0 : index
    %swap3A_231 = vector.load %arg4[%swap3A_229, %swap3A_230] : memref<1x1xf32, #tpu.memory_space<vmem>>, vector<1x1xf32>
    tpu.vector_store %arg4[%swap3A_229, %swap3A_230], %mul3A_228 {strides = array<i32>} : memref<1x1xf32, #tpu.memory_space<vmem>>, vector<1x1xf32>,
    return
  }
}

module attributes {stable_mosaic.version = 14 : i64} {
  func.func @_write_kernel(%arg0: i32, %arg1: memref<128x1x1xi32, #tpu.memory_space<vmem>>, %arg2: memref<128x1x1xf32, #tpu.memory_space<vmem>>, %arg3: memref<128x64x256xf32, #tpu.memory_space<vmem>>) attributes {dimension_semantics = [#tpu.dimension_semantics<arbitrary>], iteration_bounds = array<i64: 16>, scalar_prefetch = 0 : i64, scratch_operands = 0 : i64, tpu.core_type = #tpu.core_type<tc>, window_params = [{transform_indices = @transform_0, window_bounds = array<i64: 128, 1, 1>}, {transform_indices = @transform_1, window_bounds = array<i64: 128, 1, 1>}, {transform_indices = @transform_2, window_bounds = array<i64: 128, 64, 256>}]} {
    %get3A = arith.constant 0 : index
    %get3A_0 = arith.constant 0 : index
    %get3A_1 = arith.constant 0 : index
    %get3A_2 = vector.load %arg1[%get3A, %get3A_0, %get3A_1] : memref<128x1x1xi32, #tpu.memory_space<vmem>>, vector<128x1x1xi32>
    %get3A_3 = arith.constant 0 : index
    %get3A_4 = arith.constant 0 : index
    %get3A_5 = arith.constant 0 : index
    %get3A_6 = vector.load %arg2[%get3A_3, %get3A_4, %get3A_5] : memref<128x1x1xf32, #tpu.memory_space<vmem>>, vector<128x1x1xf32>
    %iota3A = tpu.iota {dimensions = array<i32: 1>} : vector<128x64x256xi32>
    %iota3A_7 = tpu.iota {dimensions = array<i32: 2>} : vector<128x64x256xi32>
    %mul3A = arith.constant 256 : i32
    %mul3A_8 = vector.broadcast %mul3A : i32 to vector<128x64x256xi32>
    %mul3A_9 = arith.muli %iota3A, %mul3A_8 : vector<128x64x256xi32>
    %add3A = arith.addi %mul3A_9, %iota3A_7 : vector<128x64x256xi32>
    %eq3A = vector.broadcast %get3A_2 : vector<128x1x1xi32> to vector<128x64x256xi32>
    %eq3A_10 = arith.cmpi eq, %add3A, %eq3A : vector<128x64x256xi32>
    %jit3A = arith.constant 0.000000e+00 : f32
    %broadcast_in_dim3A = vector.shape_cast %get3A_6 : vector<128x1x1xf32> to vector<128x1x1xf32>
    %broadcast_in_dim3A_11 = vector.broadcast %broadcast_in_dim3A : vector<128x1x1xf32> to vector<128x64x256xf32>
    %broadcast_in_dim3A_12 = vector.broadcast %jit3A : f32 to vector<128x64x256xf32>
    %select_n3A = arith.select %eq3A_10, %broadcast_in_dim3A_11, %broadcast_in_dim3A_12 : vector<128x64x256xi1>, vector<128x64x256xf32>
    %swap3A = arith.constant 0 : index
    %swap3A_13 = arith.constant 0 : index
    %swap3A_14 = arith.constant 0 : index
    %swap3A_15 = vector.load %arg3[%swap3A, %swap3A_13, %swap3A_14] : memref<128x64x256xf32, #tpu.memory_space<vmem>>, vector<128x64x256xf32>
    tpu.vector_store %arg3[%swap3A, %swap3A_13, %swap3A_14], %select_n3A {strides = array<i32>} : memref<128x64x256xf32, #tpu.memory_space<vmem>>, vector<128x64x256xf32>,
    return
  }
  func.func @transform_0(%arg0: i32) -> (i32, i32, i32) {
    %c0_i32 = arith.constant 0 : i32
    %c0_i32_0 = arith.constant 0 : i32
    %c0_i32_1 = arith.constant 0 : i32
    return %arg0, %c0_i32, %c0_i32_0 : i32, i32, i32
  }
  func.func @transform_1(%arg0: i32) -> (i32, i32, i32) {
    %c0_i32 = arith.constant 0 : i32
    %c0_i32_0 = arith.constant 0 : i32
    %c0_i32_1 = arith.constant 0 : i32
    return %arg0, %c0_i32, %c0_i32_0 : i32, i32, i32
  }
  func.func @transform_2(%arg0: i32) -> (i32, i32, i32) {
    %c0_i32 = arith.constant 0 : i32
    %c0_i32_0 = arith.constant 0 : i32
    %c0_i32_1 = arith.constant 0 : i32
    return %arg0, %c0_i32, %c0_i32_0 : i32, i32, i32
  }
}

</mosaic_0001>

<sc_bundles>
// kernel: kernel.5.cloned.1.call-start
scs
__scs_entry_jumppad:
0x0: {  	(pc) =	sbr.rel $0x88, $3  }
0x1: {  	(tag) =	ssettag $0x0;
	lr =	simm.s32 $0x1  }
0x2: {  	[smem:$0x3F9F] =	sst lr;
	_ =	strace $0xD0000000  }
0x3: {  	_ = 	snop  }
0x4: {  	_ = 	snop  }
0x5: {  	_ = 	snop  }
0x6: {  	_ = 	snop  }
0x7: {  	_ = 	snop  }
__scs_overlays_trampoline_lowered:
0x8: {  	[smem:$0x3FAE] =	sst s0  }
0x9: {  	[smem:$0x3FAF] =	sst s1  }
0xa: {  	[smem:$0x3FB0] =	sst s2  }
0xb: {  	[smem:$0x3FB1] =	sst s3  }
0xc: {  	[smem:$0x3FB2] =	sst s4  }
0xd: {  	[smem:$0x3FB3] =	sst s5  }
0xe: {  	[smem:$0x3FB4] =	sst s6  }
0xf: {  	[smem:$0x3FB5] =	sst s7  }
0x10: {  	[smem:$0x3FB6] =	sst s8  }
0x11: {  	[smem:$0x3FB7] =	sst s9;
	s0 =	simm.s32 @!p0 $0x0  }
0x12: {  	s1 =	sld [smem:$0x3F9D];
	s0 =	simm.s32 @p0 $0x1  }
0x13: {  	[smem:$0x3FB8] =	sst s0;
	s0 =	simm.s32 @!p1 $0x0  }
0x14: {  	s2 =	sld [smem:$0x3F9C];
	s0 =	simm.s32 @p1 $0x1  }
0x15: {  	[smem:$0x3FB9] =	sst s0;
	s0 =	simm.s32 @!p2 $0x0  }
0x16: {  	s3 =	sld [smem:$0x3FDB];
	s0 =	simm.s32 @p2 $0x1  }
0x17: {  	s4 =	simm.s32 $0x1BF5;
	[smem:$0x3FBB] =	sst s0  }
0x18: {  	s0 =	sld [smem:$0x3F9E];
	_ =	swait.ge [sflag:s4], $0x0  }
0x19: {  	s7 =	sld [smem:$0x3F9F]  }
0x1a: {  	s8 =	sadd.s32 $0xFFFFE003, lr  }
0x1b: {  	s9 =	sadd.s32 $0xFFFFFEF7, lr;
	s5 =	simm.s32 $0xFFFFFFFF;
	p2 =	slt.u32 s8, $0xFFFFF086  }
0x1c: {  	p1 =	slt.u32 s9, $0xF7A;
	s5 =	simm.s32 @!p2 $0x0  }
0x1d: {  	s5 =	simm.s32 @p1 $0x1;
	p0 =	seq.s32 s7, s2  }
0x1e: {  	s7 =	smul.u32 @!p0 $0xF7A, s2;
	p2 =	seq.s32 @!p0 s5, $0x0  }
0x1f: {  	s9 =	smul.u32 $0xF7A, s1;
	s8 =	simm.s32 @!p0 $0x1BF5;
	p2 =	por !p2, p0  }
0x20: {  	[sflag:s8] =	ssyncset.s32 @!p0 $0xFFFFF086;
	s6 =	sadd.s32 @!p0 s3, s7;
	s7 =	simm.s32 @!p0 $0x108  }
0x21: {  	s3 =	sadd.s32 s3, s9;
	s6 =	sadd.s32 @!p0 $0x88, s6;
	s7 =	simm.s32 @p2 $0x1082  }
0x22: {  	[simem:s7], [sflag:s8] =	dma.local @!p0 [hbm:s6], $0xF7A  }
0x23: {  	s9 =	sor.u32 $0xD0000000, s2;
	s6 =	simm.s32 $0x108;
	_ =	swait.ge @!p0 [sflag:s8], $0x0  }
0x24: {  	s3 =	sadd.s32 $0x88, s3;
	s6 =	simm.s32 @!p1 $0x1082;
	[sflag:s4] =	ssyncset.s32 $0xFFFFF086  }
0x25: {  	[simem:s6], [sflag:s4] =	dma.local [hbm:s3], $0xF7A  }
0x26: {  	[smem:$0x3F9F] =	sst s1;
	(tag) =	ssettag s2;
	_ =	strace s9  }
0x27: {  	s1 =	sld [smem:$0x3FAF]  }
0x28: {  	s2 =	sld [smem:$0x3FB0]  }
0x29: {  	s4 =	sld [smem:$0x3FB2]  }
0x2a: {  	p0 =	seq.s32 s5, $0x0;
	s5 =	sld [smem:$0x3FB3]  }
0x2b: {  	s6 =	sld [smem:$0x3FB4]  }
0x2c: {  	s7 =	sld [smem:$0x3FB5]  }
0x2d: {  	s3 =	simm.s32 $0x108;
	s8 =	sld [smem:$0x3FB6]  }
0x2e: {  	s3 =	simm.s32 @!p0 $0x1082;
	s9 =	sld [smem:$0x3FB7]  }
0x2f: {  	lr =	sadd.s32 s0, s3;
	s0 =	sld [smem:$0x3FAE]  }
0x30: {  	s3 =	sld [smem:$0x3FB1]  }
0x31: {  	[smem:$0x3FBA] =	sst s10  }
0x32: {  	s10 =	sld [smem:$0x3FB8];
	_ =	sdelay $0x3  }
0x33: {  	p0 =	seq.s32 s10, $0x1;
	s10 =	sld [smem:$0x3FBA];
	_ =	sdelay $0x3  }
0x34: {  	[smem:$0x3FBA] =	sst s10  }
0x35: {  	s10 =	sld [smem:$0x3FB9];
	_ =	sdelay $0x3  }
0x36: {  	p1 =	seq.s32 s10, $0x1;
	s10 =	sld [smem:$0x3FBA];
	_ =	sdelay $0x3  }
0x37: {  	[smem:$0x3FBA] =	sst s10  }
0x38: {  	s10 =	sld [smem:$0x3FBB]  }
0x39: {  	_ = 	snop;
	(pc) =	sbr.ind lr, $3  }
0x3a: {  	_ = 	snop  }
0x3b: {  	_ = 	snop  }
0x3c: {  	p2 =	seq.s32 s10, $0x1;
	s10 =	sld [smem:$0x3FBA]  }
0x3d: {  	_ =	shalt  }
0x3e: {  	_ =	shalt  }
0x3f: {  	_ =	shalt  }
0x40: {  	_ =	shalt  }
0x41: {  	_ =	shalt  }
0x42: {  	_ =	shalt  }
0x43: {  	_ =	shalt  }
0x44: {  	_ =	shalt  }
0x45: {  	_ =	shalt  }
0x46: {  	_ =	shalt  }
0x47: {  	_ =	shalt  }
0x48: {  	_ =	shalt  }
0x49: {  	_ =	shalt  }
0x4a: {  	_ =	shalt  }
0x4b: {  	_ =	shalt  }
0x4c: {  	_ =	shalt  }
0x4d: {  	_ =	shalt  }
0x4e: {  	_ =	shalt  }
0x4f: {  	_ =	shalt  }
0x50: {  	_ =	shalt  }
0x51: {  	_ =	shalt  }
0x52: {  	_ =	shalt  }
0x53: {  	_ =	shalt  }
0x54: {  	_ =	shalt  }
0x55: {  	_ =	shalt  }
0x56: {  	_ =	shalt  }
0x57: {  	_ =	shalt  }
0x58: {  	_ =	shalt  }
0x59: {  	_ =	shalt  }
0x5a: {  	_ =	shalt  }
0x5b: {  	_ =	shalt  }
0x5c: {  	_ =	shalt  }
0x5d: {  	_ =	shalt  }
0x5e: {  	_ =	shalt  }
0x5f: {  	_ =	shalt  }
0x60: {  	_ =	shalt  }
0x61: {  	_ =	shalt  }
0x62: {  	_ =	shalt  }
0x63: {  	_ =	shalt  }
0x64: {  	_ =	shalt  }
0x65: {  	_ =	shalt  }
0x66: {  	_ =	shalt  }
0x67: {  	_ =	shalt  }
0x68: {  	_ =	shalt  }
0x69: {  	_ =	shalt  }
0x6a: {  	_ =	shalt  }
0x6b: {  	_ =	shalt  }
0x6c: {  	_ =	shalt  }
0x6d: {  	_ =	shalt  }
0x6e: {  	_ =	shalt  }
0x6f: {  	_ =	shalt  }
0x70: {  	_ =	shalt  }
0x71: {  	_ =	shalt  }
0x72: {  	_ =	shalt  }
0x73: {  	_ =	shalt  }
0x74: {  	_ =	shalt  }
0x75: {  	_ =	shalt  }
0x76: {  	_ =	shalt  }
0x77: {  	_ =	shalt  }
0x78: {  	_ =	shalt  }
0x79: {  	_ =	shalt  }
0x7a: {  	_ =	shalt  }
0x7b: {  	_ =	shalt  }
0x7c: {  	_ =	shalt  }
0x7d: {  	_ =	shalt  }
0x7e: {  	_ =	shalt  }
0x7f: {  	_ =	shalt  }
0x80: {  	_ =	shalt  }
0x81: {  	_ =	shalt  }
0x82: {  	_ =	shalt  }
0x83: {  	_ =	shalt  }
0x84: {  	_ =	shalt  }
0x85: {  	_ =	shalt  }
0x86: {  	_ =	shalt  }
0x87: {  	_ =	shalt  }
.Lfunc_end0:
.L_simem_size_0:
called_computation_lowered:
.L_overlay_start_0:
0x88: {  	s2 =	sld [smem:$0x3FD9]  }
0x89: {  	s3 =	sld [smem:$0x3FFE];
	_ =	sdelay $0x1  }
0x8a: {  	s1 =	srdreg.scid  }
0x8b: {  	s0 =	sand.u32 $0x1, s1  }
0x8c: {  	s16 =	sshll.u32 s0, $0xA;
	s2 =	sadd.s32 s3, s2  }
0x8d: {  	s2 =	sadd.s32 s2, s16  }
0x8e: {  	[smem:$0x3FC6] =	sst s2  }
0x8f: {  	_ = 	snop  }
0x90: {  	(tm) =	ssettm $0x1  }
0x91: {  	s17 =	sld [smem:$0x3FFB];
	_ =	sdelay $0x3  }
0x92: {  	_ =	strace s17  }
0x93: {  	s2 =	sld [smem:$0x3FFC];
	_ =	sdelay $0x3  }
0x94: {  	_ =	strace s2  }
0x95: {  	s2 =	sld [smem:$0x3FFD];
	_ =	sdelay $0x3  }
0x96: {  	_ =	strace s2  }
0x97: {  	_ =	strace $0x8FFFFFFF  }
0x98: {  	s18 =	sld [smem:$0x3FDB];
	_ =	sdelay $0x1  }
0x99: {  	s19 =	simm.s32 $_scs_section_size  }
0x9a: {  	s4 =	simm.s32 $_size__tile_overlayer_lowered;
	s5 =	simm.s32 $_tile_overlayer_lowered  }
0x9b: {  	s22 =	simm.s32 $0x1BFF;
	s21 =	sshll.u32 s5, $0x1;
	s2 =	sadd.s32 s19, s18  }
0x9c: {  	s6 =	simm.s32 $0x0;
	s20 =	sshll.u32 s4, $0x1;
	s4 =	sadd.s32 s21, s2  }
0x9d: {  	[timem:s6], [sflag:s22] =	dma.local [hbm:s4], s20  }
0x9e: {  	_ =	swait.ge [sflag:s22], s20  }
0x9f: {  	s3 =	ssub.s32 $0x0, s20;
	[sflag:s22] =	ssyncset.done $0x0  }
0xa0: {  	[sflag:s22] =	ssyncadd.s32 s3;
	_ =	sdelay $0x1  }
0xa1: {  	s23 =	simm.s32 $0x1B8B  }
0xa2: {  	_ =	swait.ge [sflag:s23], $0x1  }
0xa3: {  	[sflag:s23] =	ssyncset.done $0x0  }
0xa4: {  	s25 =	simm.s32 $0x1B8E;
	s24 =	sld [smem:$0x3FFE];
	[sflag:s23] =	ssyncadd.s32 $0xFFFFFFFF  }
0xa5: {  	s26 =	simm.s32 $execute0_lowered;
	[smem:$0x3FD2] =	sst s25  }
0xa6: {  	s4 =	sshll.u32 s26, $0x1;
	_ =	strace $0x80000046;
	[dreg:$0x1] =	wrdreg $0xFFFFFFFF  }
0xa7: {  	s28 =	simm.s32 $_size_execute0_lowered;
	s2 =	sadd.s32 s2, s4;
	[dreg:$0x0] =	wrdreg $0x0  }
0xa8: {  	s4 =	sshll.u32 s28, $0x1;
	[dreg:$0x2] =	wrdreg s2  }
0xa9: {  	[dreg:$0x3] =	wrdreg s4  }
0xaa: {  	[dreg:$0x4] =	wrdreg $0xC0  }
0xab: {  	_ =	task [dreg:s6], $0x5FFFF  }
0xac: {  	[dreg:$0x1] =	wrdreg $0xFFFFFFFF  }
0xad: {  	[dreg:$0x0] =	wrdreg $0x60  }
0xae: {  	[dreg:$0x2] =	wrdreg s24  }
0xaf: {  	[dreg:$0x3] =	wrdreg $0x9  }
0xb0: {  	_ =	task.clear_ibuf [dreg:s6], $0x4FFFF;
	_ =	strace $0x90000046  }
0xb1: {  	s29 =	simm.s32 $0x9;
	_ =	strace $0x80000048  }
0xb2: {  	_ =	swait.ge [sflag:s29], $0x1  }
0xb3: {  	[sflag:s29] =	ssyncadd.s32 $0xFFFFFFFF  }
0xb4: {  	_ =	strace $0x90000048  }
0xb5: {  	_ =	sfence  }
0xb6: {  	s30 =	sld [smem:$0x0];
	_ =	sdelay $0x2  }
0xb7: {  	s31 =	sshll.u32 s1, $0xD;
	s1 =	sshrl.u32 s1, $0x2  }
0xb8: {  	s3 =	sand.u32 $0x4000, s31;
	s1 =	sadd.s32 s1, s30  }
0xb9: {  	s0 =	sor.u32 s3, s0;
	s1 =	sshll.u32 s1, $0x11  }
0xba: {  	s0 =	sor.u32 s1, s0  }
0xbb: {  	s0 =	sadd.s32 $0x8F2B, s0  }
0xbc: {  	[sflag:s0] =	ssyncadd.remote.s32 $0x1  }
0xbd: {  	_ =	sfence.sel $0xFFFF  }
0xbe: {  	[dreg:$0x0] =	wrdreg $0xFFFFFFFF;
	(pc) =	sbr.abs _section_cstart, $3  }
0xbf: {  	[dreg:$0x1] =	wrdreg $0xFFFFFFFF  }
0xc0: {  	_ =	task.clear_ibuf [dreg:s6], $0x2FFFF;
	_ =	strace $0x9FFFFFFF  }
0xc1: {  	(tm) =	ssettm $0x7FFFFFFF  }
tec
execute0_lowered:
.L_overlay_start_1:
0x0: {  	(tag) =	ssettag $0x1  }
0x1: {  	s1 =	srdreg.scid;
	s0 =	stileid.u32  }
0x2: {  	s1 =	sand.u32 $0x1, s1;
	s3 =	sshll.u32 s0, $0x1  }
0x3: {  	s5 =	rddreg [dreg:$0x0];
	s14 =	sor.u32 s1, s3  }
0x4: {  	s2 =	simm.s32 $0x0;
	s3 =	sadd.s32 $0x4200, s5;
	s4 =	sshll.u32 s14, $0x11  }
0x5: {  	[smem:$0x7FF] =	sst s2;
	s6 =	sadd.s32 $0x3200, s5;
	s4 =	sadd.s32 s3, s4  }
0x6: {  	_ =	strace $0x80000047;
	[dreg:$0x2] =	wrdreg s6;
	s25 =	sadd.s32 $0x1000, s4  }
0x7: {  	s26 =	sadd.s32 $0x2000, s4;
	[dreg:$0x3] =	wrdreg s25  }
0x8: {  	s0 =	sadd.s32 $0x3000, s4;
	[dreg:$0x4] =	wrdreg s26  }
0x9: {  	s7 =	sadd.s32 $0x4000, s4;
	[dreg:$0x5] =	wrdreg s0  }
0xa: {  	s8 =	sadd.s32 $0x5000, s4;
	[dreg:$0x6] =	wrdreg s7  }
0xb: {  	s9 =	sadd.s32 $0x6000, s4;
	[dreg:$0x7] =	wrdreg s8  }
0xc: {  	s10 =	sadd.s32 $0x7000, s4;
	[dreg:$0x8] =	wrdreg s9  }
0xd: {  	s11 =	sadd.s32 $0x8000, s4;
	[dreg:$0x9] =	wrdreg s10  }
0xe: {  	s12 =	sadd.s32 $0x9000, s4;
	[dreg:$0xa] =	wrdreg s11  }
0xf: {  	s13 =	sadd.s32 $0xA000, s4;
	[dreg:$0xb] =	wrdreg s12  }
0x10: {  	s15 =	sadd.s32 $0xB000, s4;
	[dreg:$0xc] =	wrdreg s13  }
0x11: {  	s28 =	simm.s32 $0xB180;
	s16 =	sadd.s32 $0xC000, s4;
	[dreg:$0xd] =	wrdreg s15  }
0x12: {  	s29 =	simm.s32 $0xB980;
	s17 =	sadd.s32 $0xD000, s4;
	[dreg:$0xe] =	wrdreg s16  }
0x13: {  	s30 =	simm.s32 $0x2;
	s18 =	sadd.s32 $0xE000, s4;
	[dreg:$0xf] =	wrdreg s17  }
0x14: {  	s31 =	simm.s32 $0x1;
	s19 =	sadd.s32 $0xF000, s4;
	[dreg:$0x10] =	wrdreg s18  }
0x15: {  	s1 =	ssub.s32 $0x2, s1;
	s20 =	sadd.s32 $0x10000, s4;
	[dreg:$0x11] =	wrdreg s19  }
0x16: {  	s24 =	sshrl.u32 s1, $0x1;
	s21 =	sadd.s32 $0x11000, s4;
	[dreg:$0x12] =	wrdreg s20  }
0x17: {  	s1 =	ssub.s32 s1, s24;
	s22 =	sadd.s32 $0x12000, s4;
	[dreg:$0x13] =	wrdreg s21  }
0x18: {  	s24 =	simm.s32 $0x9980;
	s23 =	sadd.s32 $0x13000, s4;
	[dreg:$0x14] =	wrdreg s22  }
0x19: {  	s6 =	sadd.s32 $0x15000, s4;
	s7 =	sshll.u32 s14, $0x3;
	[dreg:$0x15] =	wrdreg s23  }
0x1a: {  	s25 =	sadd.s32 $0x14000, s4;
	s8 =	sadd.s32 $0x17000, s4;
	s9 =	sadd.s32 $0x18000, s4  }
0x1b: {  	s10 =	sadd.s32 $0x19000, s4;
	s11 =	sadd.s32 $0x1A000, s4;
	s12 =	sadd.s32 $0x1B000, s4  }
0x1c: {  	v6 =	vlaneseq.u32;
	s13 =	sadd.s32 $0x1C000, s4;
	s18 =	sshll.u32 s14, $0x6;
	s14 =	sadd.s32 $0x1D000, s4  }
0x1d: {  	vm0 =	vmmov $0xffff;
	v5 =	vshrl.u32 v6, $0x3;
	s15 =	sadd.s32 $0x1E000, s4;
	s16 =	sadd.s32 $0x1F000, s4;
	s21 =	simm.s32 $0x8180;
	v0 =	vmov s18  }
0x1e: {  	v3 =	vmul.u32 $0x40, v6;
	v5 =	vmul.u32 $0x8, v5;
	s19 =	sor.u32 $0x10, s18;
	s20 =	sor.u32 $0x20, s18;
	s26 =	sor.u32 $0x30, s18;
	v0 =	vshll.u32 v0, $0x6  }
0x1f: {  	s22 =	simm.s32 $0x8980;
	s23 =	simm.s32 $0x9180;
	s17 =	sadd.s32 s7, s5;
	v1 =	vmov s19;
	v2 =	vmov s20;
	v4 =	vmov s26  }
0x20: {  	s5 =	sadd.s32 $0xE00, s5;
	[dreg:$0x16] =	wrdreg s25;
	s7 =	sadd.s32 $0x16000, s4;
	v0 =	vor.u32 v3, v0;
	v1 =	vshll.u32 v1, $0x6;
	v2 =	vshll.u32 v2, $0x6  }
0x21: {  	s18 =	smax.u32 s1, $0x1;
	s25 =	simm.s32 $0xA180;
	s1 =	simm.s32 $0x3;
	v4 =	vshll.u32 v4, $0x6;
	v1 =	vor.u32 v3, v1;
	v2 =	vor.u32 v3, v2  }
0x22: {  	s17 =	sadd.s32 $0x3000, s17;
	s19 =	simm.s32 $0x4;
	s26 =	simm.s32 $0xA980;
	v3 =	vor.u32 v3, v4;
	v4 =	vand.u32 $0x7, v6;
	v6 =	vor.u32 $0x8, v6  }
.LBB2_1:
0x23: {  	s0 =	rddreg [dreg:$0x2]  }
0x24: {  	[tilespmem:s2], [sflag:$0x4] =	stream.linear.gather [hbm4b:s0+s2], $0x8000, $0x38;
	[tilespmem:$0xC180] =	vst v63  }
0x25: {  	_ =	swait.ge [sflag:s19], $0x8000  }
0x26: {  	[sflag:s19] =	ssyncset.done $0x0  }
0x27: {  	[sflag:s19] =	ssyncadd.s32 $0xFFFF8000  }
0x28: {  	[hbm4b:s4+s2] =	stream.linear.scatter [tilespmem:s2], [sflag:$0x1], $0x8000, $0x38;
	[tilespmem:$0xC180] =	vst v63  }
0x29: {  	s0 =	rddreg [dreg:$0x3]  }
0x2a: {  	[hbm4b:s0+s2] =	stream.linear.scatter [tilespmem:s2], [sflag:$0x1], $0x8000, $0x38;
	[tilespmem:$0xC180] =	vst v63  }
0x2b: {  	s20 =	rddreg [dreg:$0x4]  }
0x2c: {  	[hbm4b:s20+s2] =	stream.linear.scatter [tilespmem:s2], [sflag:$0x1], $0x8000, $0x38;
	[tilespmem:$0xC180] =	vst v63  }
0x2d: {  	s0 =	rddreg [dreg:$0x5]  }
0x2e: {  	[hbm4b:s0+s2] =	stream.linear.scatter [tilespmem:s2], [sflag:$0x1], $0x8000, $0x38;
	[tilespmem:$0xC180] =	vst v63  }
0x2f: {  	s20 =	rddreg [dreg:$0x6]  }
0x30: {  	[hbm4b:s20+s2] =	stream.linear.scatter [tilespmem:s2], [sflag:$0x1], $0x8000, $0x38;
	[tilespmem:$0xC180] =	vst v63  }
0x31: {  	s0 =	rddreg [dreg:$0x7]  }
0x32: {  	[hbm4b:s0+s2] =	stream.linear.scatter [tilespmem:s2], [sflag:$0x1], $0x8000, $0x38;
	[tilespmem:$0xC180] =	vst v63  }
0x33: {  	s20 =	rddreg [dreg:$0x8]  }
0x34: {  	[hbm4b:s20+s2] =	stream.linear.scatter [tilespmem:s2], [sflag:$0x1], $0x8000, $0x38;
	[tilespmem:$0xC180] =	vst v63  }
0x35: {  	s0 =	rddreg [dreg:$0x9]  }
0x36: {  	[hbm4b:s0+s2] =	stream.linear.scatter [tilespmem:s2], [sflag:$0x1], $0x8000, $0x38;
	[tilespmem:$0xC180] =	vst v63  }
0x37: {  	s20 =	rddreg [dreg:$0xa]  }
0x38: {  	[hbm4b:s20+s2] =	stream.linear.scatter [tilespmem:s2], [sflag:$0x1], $0x8000, $0x38;
	[tilespmem:$0xC180] =	vst v63  }
0x39: {  	s0 =	rddreg [dreg:$0xb]  }
0x3a: {  	[hbm4b:s0+s2] =	stream.linear.scatter [tilespmem:s2], [sflag:$0x1], $0x8000, $0x38;
	[tilespmem:$0xC180] =	vst v63  }
0x3b: {  	s20 =	rddreg [dreg:$0xc]  }
0x3c: {  	[hbm4b:s20+s2] =	stream.linear.scatter [tilespmem:s2], [sflag:$0x1], $0x8000, $0x38;
	[tilespmem:$0xC180] =	vst v63  }
0x3d: {  	s0 =	rddreg [dreg:$0xd]  }
0x3e: {  	[hbm4b:s0+s2] =	stream.linear.scatter [tilespmem:s2], [sflag:$0x1], $0x8000, $0x38;
	[tilespmem:$0xC180] =	vst v63  }
0x3f: {  	s20 =	rddreg [dreg:$0xe]  }
0x40: {  	[hbm4b:s20+s2] =	stream.linear.scatter [tilespmem:s2], [sflag:$0x1], $0x8000, $0x38;
	[tilespmem:$0xC180] =	vst v63  }
0x41: {  	s0 =	rddreg [dreg:$0xf]  }
0x42: {  	[hbm4b:s0+s2] =	stream.linear.scatter [tilespmem:s2], [sflag:$0x1], $0x8000, $0x38;
	[tilespmem:$0xC180] =	vst v63  }
0x43: {  	s20 =	rddreg [dreg:$0x10]  }
0x44: {  	[hbm4b:s20+s2] =	stream.linear.scatter [tilespmem:s2], [sflag:$0x1], $0x8000, $0x38;
	[tilespmem:$0xC180] =	vst v63  }
0x45: {  	s0 =	rddreg [dreg:$0x11]  }
0x46: {  	[hbm4b:s0+s2] =	stream.linear.scatter [tilespmem:s2], [sflag:$0x1], $0x8000, $0x38;
	[tilespmem:$0xC180] =	vst v63  }
0x47: {  	s20 =	rddreg [dreg:$0x12]  }
0x48: {  	[hbm4b:s20+s2] =	stream.linear.scatter [tilespmem:s2], [sflag:$0x1], $0x8000, $0x38;
	[tilespmem:$0xC180] =	vst v63  }
0x49: {  	s0 =	rddreg [dreg:$0x13]  }
0x4a: {  	[hbm4b:s0+s2] =	stream.linear.scatter [tilespmem:s2], [sflag:$0x1], $0x8000, $0x38;
	[tilespmem:$0xC180] =	vst v63  }
0x4b: {  	s20 =	rddreg [dreg:$0x14]  }
0x4c: {  	[hbm4b:s20+s2] =	stream.linear.scatter [tilespmem:s2], [sflag:$0x1], $0x8000, $0x38;
	[tilespmem:$0xC180] =	vst v63  }
0x4d: {  	s0 =	rddreg [dreg:$0x15]  }
0x4e: {  	[hbm4b:s0+s2] =	stream.linear.scatter [tilespmem:s2], [sflag:$0x1], $0x8000, $0x38;
	[tilespmem:$0xC180] =	vst v63  }
0x4f: {  	s20 =	rddreg [dreg:$0x16]  }
0x50: {  	[hbm4b:s20+s2] =	stream.linear.scatter [tilespmem:s2], [sflag:$0x1], $0x8000, $0x38;
	[tilespmem:$0xC180] =	vst v63  }
0x51: {  	_ = 	snop  }
0x52: {  	[hbm4b:s6+s2] =	stream.linear.scatter [tilespmem:s2], [sflag:$0x1], $0x8000, $0x38;
	[tilespmem:$0xC180] =	vst v63  }
0x53: {  	_ = 	snop  }
0x54: {  	[hbm4b:s7+s2] =	stream.linear.scatter [tilespmem:s2], [sflag:$0x1], $0x8000, $0x38;
	[tilespmem:$0xC180] =	vst v63  }
0x55: {  	_ = 	snop  }
0x56: {  	[hbm4b:s8+s2] =	stream.linear.scatter [tilespmem:s2], [sflag:$0x1], $0x8000, $0x38;
	[tilespmem:$0xC180] =	vst v63  }
0x57: {  	_ = 	snop  }
0x58: {  	[hbm4b:s9+s2] =	stream.linear.scatter [tilespmem:s2], [sflag:$0x1], $0x8000, $0x38;
	[tilespmem:$0xC180] =	vst v63  }
0x59: {  	_ = 	snop  }
0x5a: {  	[hbm4b:s10+s2] =	stream.linear.scatter [tilespmem:s2], [sflag:$0x1], $0x8000, $0x38;
	[tilespmem:$0xC180] =	vst v63  }
0x5b: {  	_ = 	snop  }
0x5c: {  	[hbm4b:s11+s2] =	stream.linear.scatter [tilespmem:s2], [sflag:$0x1], $0x8000, $0x38;
	[tilespmem:$0xC180] =	vst v63  }
0x5d: {  	_ = 	snop  }
0x5e: {  	[hbm4b:s12+s2] =	stream.linear.scatter [tilespmem:s2], [sflag:$0x1], $0x8000, $0x38;
	[tilespmem:$0xC180] =	vst v63  }
0x5f: {  	_ = 	snop  }
0x60: {  	[hbm4b:s13+s2] =	stream.linear.scatter [tilespmem:s2], [sflag:$0x1], $0x8000, $0x38;
	[tilespmem:$0xC180] =	vst v63  }
0x61: {  	_ = 	snop  }
0x62: {  	[hbm4b:s14+s2] =	stream.linear.scatter [tilespmem:s2], [sflag:$0x1], $0x8000, $0x38;
	[tilespmem:$0xC180] =	vst v63  }
0x63: {  	_ = 	snop  }
0x64: {  	[hbm4b:s15+s2] =	stream.linear.scatter [tilespmem:s2], [sflag:$0x1], $0x8000, $0x38;
	[tilespmem:$0xC180] =	vst v63  }
0x65: {  	_ = 	snop  }
0x66: {  	[hbm4b:s16+s2] =	stream.linear.scatter [tilespmem:s2], [sflag:$0x1], $0x8000, $0x38;
	[tilespmem:$0xC180] =	vst v63  }
0x67: {  	s20 =	simm.s32 $0x8000  }
0x68: {  	[tilespmem:s20], [sflag:$0x4] =	stream.linear.gather [hbm4b:s17+s2], $0x40, $0x38;
	[tilespmem:$0xC180] =	vst v63  }
0x69: {  	_ =	swait.ge [sflag:s19], $0x40  }
0x6a: {  	[sflag:s19] =	ssyncset.done $0x0  }
0x6b: {  	[sflag:s19] =	ssyncadd.s32 $0xFFFFFFC0  }
0x6c: {  	v7 =	vld [tilespmem:$0x8000];
	_ =	sdelay $0x4  }
0x6d: {  	v9 =	vld [tilespmem:$0x8010];
	vm1 =	vgt.s32 v7, $0xFFFFFFFF;
	v8 =	vand.u32 $0xFF, v7  }
0x6e: {  	v12 =	vld [tilespmem:$0x8030];
	v8 =	vnsel vm1, $0x100, v8  }
0x6f: {  	[tilespmem:$0x8080] =	vst v8  }
0x70: {  	v8 =	vld [tilespmem:$0x8080]  }
0x71: {  	v10 =	vld [tilespmem:$0x8020];
	vm1 =	vgt.s32 v7, $0x0  }
0x72: {  	v7 =	vnsel vm1, $0x0, v7  }
0x73: {  	v62 =	vand.u32 $0xFF, v12;
	vm1 =	vgt.s32 v9, $0x0;
	v7 =	vshrl.u32 v7, $0x8  }
0x74: {  	v11 =	vnsel vm1, $0x0, v9;
	vm1 =	vgt.s32 v9, $0xFFFFFFFF;
	v9 =	vand.u32 $0xFF, v9  }
0x75: {  	v7 =	vadd.s32 v0, v7;
	v9 =	vnsel vm1, $0x100, v9;
	v13 =	vshll.u32 v8, $0x1  }
0x76: {  	vm1 =	vgt.s32 v10, $0x0;
	v8 =	vand.u32 $0x7, v8;
	v13 =	vand.u32 $0xFFFFFFF0, v13  }
0x77: {  	v11 =	vshrl.u32 v11, $0x8;
	v57 =	vnsel vm1, $0x0, v10;
	v8 =	vor.u32 v8, v13  }
0x78: {  	vm1 =	vgt.s32 v10, $0xFFFFFFFF;
	[tilespmem:$0x8100] =	vst v7;
	v7 =	vand.u32 $0xFF, v10;
	v59 =	vperm.xlane v8, v4  }
0x79: {  	[tilespmem:$0x8090] =	vst v9;
	v60 =	vadd.s32 v1, v11;
	v58 =	vshrl.u32 v57, $0x8;
	v7 =	vnsel vm1, $0x100, v7  }
0x7a: {  	[tilespmem:$0x8110] =	vst v60;
	vm1 =	vgt.s32 v12, $0x0;
	v8 =	vperm.xlane v8, v6;
	v61 =	vadd.s32 v5, v59  }
0x7b: {  	v10 =	vadd.s32 v2, v58;
	[tilespmem:$0x80A0] =	vst v7;
	v7 =	vnsel vm1, $0x0, v12;
	vm1 =	vgt.s32 v12, $0xFFFFFFFF  }
0x7c: {  	[tilespmem:$0x8120] =	vst v10;
	v63 =	vnsel vm1, $0x100, v62;
	v7 =	vshrl.u32 v7, $0x8;
	v8 =	vadd.s32 v5, v8  }
0x7d: {  	[tilespmem:$0x80B0] =	vst v63;
	v7 =	vadd.s32 v3, v7  }
0x7e: {  	[tilespmem:$0x8130] =	vst v7  }
0x7f: {  	[tilespmem:s21], [sflag:$0x2] =	stream.indirect_vreg.gather [hbm4b:s5+s2], $0x80, v61, vm0, $0xb8;
	[tilespmem:$0xC180] =	vst v63  }
0x80: {  	_ = 	snop  }
0x81: {  	[tilespmem:s22], [sflag:$0x2] =	stream.indirect_vreg.gather [hbm4b:s5+s2], $0x80, v8, vm0, $0xb8;
	[tilespmem:$0xC180] =	vst v63  }
0x82: {  	v7 =	vld [tilespmem:$0x8090];
	_ =	sdelay $0x4  }
0x83: {  	v8 =	vshll.u32 v7, $0x1  }
0x84: {  	v7 =	vand.u32 $0x7, v7;
	v8 =	vand.u32 $0xFFFFFFF0, v8  }
0x85: {  	v7 =	vor.u32 v7, v8  }
0x86: {  	v8 =	vperm.xlane v7, v4;
	_ =	sdelay $0x1  }
0x87: {  	v7 =	vperm.xlane v7, v6;
	v8 =	vadd.s32 v5, v8;
	_ =	sdelay $0x1  }
0x88: {  	v7 =	vadd.s32 v5, v7;
	_ =	sdelay $0x2  }
0x89: {  	[tilespmem:s23], [sflag:$0x2] =	stream.indirect_vreg.gather [hbm4b:s5+s2], $0x80, v8, vm0, $0xb8;
	[tilespmem:$0xC180] =	vst v63  }
0x8a: {  	_ = 	snop  }
0x8b: {  	[tilespmem:s24], [sflag:$0x2] =	stream.indirect_vreg.gather [hbm4b:s5+s2], $0x80, v7, vm0, $0xb8;
	[tilespmem:$0xC180] =	vst v63  }
0x8c: {  	v7 =	vld [tilespmem:$0x80A0];
	_ =	sdelay $0x4  }
0x8d: {  	v8 =	vshll.u32 v7, $0x1  }
0x8e: {  	v7 =	vand.u32 $0x7, v7;
	v8 =	vand.u32 $0xFFFFFFF0, v8  }
0x8f: {  	v7 =	vor.u32 v7, v8  }
0x90: {  	v8 =	vperm.xlane v7, v4;
	_ =	sdelay $0x1  }
0x91: {  	v7 =	vperm.xlane v7, v6;
	v8 =	vadd.s32 v5, v8;
	_ =	sdelay $0x1  }
0x92: {  	v7 =	vadd.s32 v5, v7;
	_ =	sdelay $0x2  }
0x93: {  	[tilespmem:s25], [sflag:$0x2] =	stream.indirect_vreg.gather [hbm4b:s5+s2], $0x80, v8, vm0, $0xb8;
	[tilespmem:$0xC180] =	vst v63  }
0x94: {  	_ = 	snop  }
0x95: {  	[tilespmem:s26], [sflag:$0x2] =	stream.indirect_vreg.gather [hbm4b:s5+s2], $0x80, v7, vm0, $0xb8;
	[tilespmem:$0xC180] =	vst v63  }
0x96: {  	v7 =	vld [tilespmem:$0x80B0];
	_ =	sdelay $0x4  }
0x97: {  	v8 =	vshll.u32 v7, $0x1  }
0x98: {  	v7 =	vand.u32 $0x7, v7;
	v8 =	vand.u32 $0xFFFFFFF0, v8  }
0x99: {  	v7 =	vor.u32 v7, v8  }
0x9a: {  	v8 =	vperm.xlane v7, v4;
	_ =	sdelay $0x1  }
0x9b: {  	v7 =	vperm.xlane v7, v6;
	v8 =	vadd.s32 v5, v8;
	_ =	sdelay $0x1  }
0x9c: {  	v7 =	vadd.s32 v5, v7;
	_ =	sdelay $0x2  }
0x9d: {  	[tilespmem:s28], [sflag:$0x2] =	stream.indirect_vreg.gather [hbm4b:s5+s2], $0x80, v8, vm0, $0xb8;
	[tilespmem:$0xC180] =	vst v63  }
0x9e: {  	_ = 	snop  }
0x9f: {  	[tilespmem:s29], [sflag:$0x2] =	stream.indirect_vreg.gather [hbm4b:s5+s2], $0x80, v7, vm0, $0xb8;
	[tilespmem:$0xC180] =	vst v63  }
0xa0: {  	_ =	swait.ge [sflag:s30], $0x4000  }
0xa1: {  	[sflag:s30] =	ssyncset.done $0x0  }
0xa2: {  	[sflag:s30] =	ssyncadd.s32 $0xFFFFC000  }
0xa3: {  	_ =	swait.ge [sflag:s31], $0x8000  }
0xa4: {  	[sflag:s31] =	ssyncset.done $0x0  }
0xa5: {  	[sflag:s31] =	ssyncadd.s32 $0xFFFF8000  }
0xa6: {  	_ =	swait.ge [sflag:s31], $0x8000  }
0xa7: {  	[sflag:s31] =	ssyncset.done $0x0  }
0xa8: {  	[sflag:s31] =	ssyncadd.s32 $0xFFFF8000  }
0xa9: {  	_ =	swait.ge [sflag:s31], $0x8000  }
0xaa: {  	[sflag:s31] =	ssyncset.done $0x0  }
0xab: {  	[sflag:s31] =	ssyncadd.s32 $0xFFFF8000  }
0xac: {  	_ =	swait.ge [sflag:s31], $0x8000  }
0xad: {  	[sflag:s31] =	ssyncset.done $0x0  }
0xae: {  	[sflag:s31] =	ssyncadd.s32 $0xFFFF8000  }
0xaf: {  	_ =	swait.ge [sflag:s31], $0x8000  }
0xb0: {  	[sflag:s31] =	ssyncset.done $0x0  }
0xb1: {  	[sflag:s31] =	ssyncadd.s32 $0xFFFF8000  }
0xb2: {  	_ =	swait.ge [sflag:s31], $0x8000  }
0xb3: {  	[sflag:s31] =	ssyncset.done $0x0  }
0xb4: {  	[sflag:s31] =	ssyncadd.s32 $0xFFFF8000  }
0xb5: {  	_ =	swait.ge [sflag:s31], $0x8000  }
0xb6: {  	[sflag:s31] =	ssyncset.done $0x0  }
0xb7: {  	[sflag:s31] =	ssyncadd.s32 $0xFFFF8000  }
0xb8: {  	_ =	swait.ge [sflag:s31], $0x8000  }
0xb9: {  	[sflag:s31] =	ssyncset.done $0x0  }
0xba: {  	[sflag:s31] =	ssyncadd.s32 $0xFFFF8000  }
0xbb: {  	_ =	swait.ge [sflag:s31], $0x8000  }
0xbc: {  	[sflag:s31] =	ssyncset.done $0x0  }
0xbd: {  	[sflag:s31] =	ssyncadd.s32 $0xFFFF8000  }
0xbe: {  	_ =	swait.ge [sflag:s31], $0x8000  }
0xbf: {  	[sflag:s31] =	ssyncset.done $0x0  }
0xc0: {  	[sflag:s31] =	ssyncadd.s32 $0xFFFF8000  }
0xc1: {  	_ =	swait.ge [sflag:s31], $0x8000  }
0xc2: {  	[sflag:s31] =	ssyncset.done $0x0  }
0xc3: {  	[sflag:s31] =	ssyncadd.s32 $0xFFFF8000  }
0xc4: {  	_ =	swait.ge [sflag:s31], $0x8000  }
0xc5: {  	[sflag:s31] =	ssyncset.done $0x0  }
0xc6: {  	[sflag:s31] =	ssyncadd.s32 $0xFFFF8000  }
0xc7: {  	_ =	swait.ge [sflag:s31], $0x8000  }
0xc8: {  	[sflag:s31] =	ssyncset.done $0x0  }
0xc9: {  	[sflag:s31] =	ssyncadd.s32 $0xFFFF8000  }
0xca: {  	_ =	swait.ge [sflag:s31], $0x8000  }
0xcb: {  	[sflag:s31] =	ssyncset.done $0x0  }
0xcc: {  	[sflag:s31] =	ssyncadd.s32 $0xFFFF8000  }
0xcd: {  	_ =	swait.ge [sflag:s31], $0x8000  }
0xce: {  	[sflag:s31] =	ssyncset.done $0x0  }
0xcf: {  	[sflag:s31] =	ssyncadd.s32 $0xFFFF8000  }
0xd0: {  	_ =	swait.ge [sflag:s31], $0x8000  }
0xd1: {  	[sflag:s31] =	ssyncset.done $0x0  }
0xd2: {  	[sflag:s31] =	ssyncadd.s32 $0xFFFF8000  }
0xd3: {  	_ =	swait.ge [sflag:s31], $0x8000  }
0xd4: {  	[sflag:s31] =	ssyncset.done $0x0  }
0xd5: {  	[sflag:s31] =	ssyncadd.s32 $0xFFFF8000  }
0xd6: {  	_ =	swait.ge [sflag:s31], $0x8000  }
0xd7: {  	[sflag:s31] =	ssyncset.done $0x0  }
0xd8: {  	[sflag:s31] =	ssyncadd.s32 $0xFFFF8000  }
0xd9: {  	_ =	swait.ge [sflag:s31], $0x8000  }
0xda: {  	[sflag:s31] =	ssyncset.done $0x0  }
0xdb: {  	[sflag:s31] =	ssyncadd.s32 $0xFFFF8000  }
0xdc: {  	_ =	swait.ge [sflag:s31], $0x8000  }
0xdd: {  	[sflag:s31] =	ssyncset.done $0x0  }
0xde: {  	[sflag:s31] =	ssyncadd.s32 $0xFFFF8000  }
0xdf: {  	_ =	swait.ge [sflag:s31], $0x8000  }
0xe0: {  	[sflag:s31] =	ssyncset.done $0x0  }
0xe1: {  	[sflag:s31] =	ssyncadd.s32 $0xFFFF8000  }
0xe2: {  	_ =	swait.ge [sflag:s31], $0x8000  }
0xe3: {  	[sflag:s31] =	ssyncset.done $0x0  }
0xe4: {  	[sflag:s31] =	ssyncadd.s32 $0xFFFF8000  }
0xe5: {  	_ =	swait.ge [sflag:s31], $0x8000  }
0xe6: {  	[sflag:s31] =	ssyncset.done $0x0  }
0xe7: {  	[sflag:s31] =	ssyncadd.s32 $0xFFFF8000  }
0xe8: {  	_ =	swait.ge [sflag:s31], $0x8000  }
0xe9: {  	[sflag:s31] =	ssyncset.done $0x0  }
0xea: {  	[sflag:s31] =	ssyncadd.s32 $0xFFFF8000  }
0xeb: {  	_ =	swait.ge [sflag:s31], $0x8000  }
0xec: {  	[sflag:s31] =	ssyncset.done $0x0  }
0xed: {  	[sflag:s31] =	ssyncadd.s32 $0xFFFF8000  }
0xee: {  	_ =	swait.ge [sflag:s31], $0x8000  }
0xef: {  	[sflag:s31] =	ssyncset.done $0x0  }
0xf0: {  	[sflag:s31] =	ssyncadd.s32 $0xFFFF8000  }
0xf1: {  	_ =	swait.ge [sflag:s31], $0x8000  }
0xf2: {  	[sflag:s31] =	ssyncset.done $0x0  }
0xf3: {  	[sflag:s31] =	ssyncadd.s32 $0xFFFF8000  }
0xf4: {  	_ =	swait.ge [sflag:s31], $0x8000  }
0xf5: {  	[sflag:s31] =	ssyncset.done $0x0  }
0xf6: {  	[sflag:s31] =	ssyncadd.s32 $0xFFFF8000  }
0xf7: {  	_ =	swait.ge [sflag:s31], $0x8000  }
0xf8: {  	[sflag:s31] =	ssyncset.done $0x0  }
0xf9: {  	[sflag:s31] =	ssyncadd.s32 $0xFFFF8000  }
0xfa: {  	_ =	swait.ge [sflag:s31], $0x8000  }
0xfb: {  	[sflag:s31] =	ssyncset.done $0x0  }
0xfc: {  	[sflag:s31] =	ssyncadd.s32 $0xFFFF8000  }
0xfd: {  	_ =	swait.ge [sflag:s31], $0x8000  }
0xfe: {  	[sflag:s31] =	ssyncset.done $0x0  }
0xff: {  	[sflag:s31] =	ssyncadd.s32 $0xFFFF8000  }
0x100: {  	_ =	swait.ge [sflag:s31], $0x8000  }
0x101: {  	[sflag:s31] =	ssyncset.done $0x0  }
0x102: {  	[sflag:s31] =	ssyncadd.s32 $0xFFFF8000  }
0x103: {  	v7 =	vld [tilespmem:$0x8100];
	_ =	sdelay $0x4  }
0x104: {  	v8 =	vshll.u32 v7, $0x1  }
0x105: {  	v7 =	vand.u32 $0x7, v7;
	v8 =	vand.u32 $0xFFFFFFF0, v8  }
0x106: {  	v7 =	vor.u32 v7, v8  }
0x107: {  	v8 =	vperm.xlane v7, v4;
	_ =	sdelay $0x1  }
0x108: {  	v7 =	vperm.xlane v7, v6;
	v8 =	vadd.s32 v5, v8;
	_ =	sdelay $0x1  }
0x109: {  	v7 =	vadd.s32 v5, v7;
	_ =	sdelay $0x2  }
0x10a: {  	[hbm4b:s3+s2] =	stream.indirect_vreg.scatter [tilespmem:s21], [sflag:$0x3], $0x80, v8, vm0, $0xb8;
	[tilespmem:$0xC180] =	vst v63  }
0x10b: {  	_ = 	snop  }
0x10c: {  	[hbm4b:s3+s2] =	stream.indirect_vreg.scatter [tilespmem:s22], [sflag:$0x3], $0x80, v7, vm0, $0xb8;
	[tilespmem:$0xC180] =	vst v63  }
0x10d: {  	v7 =	vld [tilespmem:$0x8110];
	_ =	sdelay $0x4  }
0x10e: {  	v8 =	vshll.u32 v7, $0x1  }
0x10f: {  	v7 =	vand.u32 $0x7, v7;
	v8 =	vand.u32 $0xFFFFFFF0, v8  }
0x110: {  	v7 =	vor.u32 v7, v8  }
0x111: {  	v8 =	vperm.xlane v7, v4;
	_ =	sdelay $0x1  }
0x112: {  	v7 =	vperm.xlane v7, v6;
	v8 =	vadd.s32 v5, v8;
	_ =	sdelay $0x1  }
0x113: {  	v7 =	vadd.s32 v5, v7;
	_ =	sdelay $0x2  }
0x114: {  	[hbm4b:s3+s2] =	stream.indirect_vreg.scatter [tilespmem:s23], [sflag:$0x3], $0x80, v8, vm0, $0xb8;
	[tilespmem:$0xC180] =	vst v63  }
0x115: {  	_ = 	snop  }
0x116: {  	[hbm4b:s3+s2] =	stream.indirect_vreg.scatter [tilespmem:s24], [sflag:$0x3], $0x80, v7, vm0, $0xb8;
	[tilespmem:$0xC180] =	vst v63  }
0x117: {  	v7 =	vld [tilespmem:$0x8120];
	_ =	sdelay $0x4  }
0x118: {  	v8 =	vshll.u32 v7, $0x1  }
0x119: {  	v7 =	vand.u32 $0x7, v7;
	v8 =	vand.u32 $0xFFFFFFF0, v8  }
0x11a: {  	v7 =	vor.u32 v7, v8  }
0x11b: {  	v8 =	vperm.xlane v7, v4;
	_ =	sdelay $0x1  }
0x11c: {  	v7 =	vperm.xlane v7, v6;
	v8 =	vadd.s32 v5, v8;
	_ =	sdelay $0x1  }
0x11d: {  	v7 =	vadd.s32 v5, v7;
	_ =	sdelay $0x2  }
0x11e: {  	[hbm4b:s3+s2] =	stream.indirect_vreg.scatter [tilespmem:s25], [sflag:$0x3], $0x80, v8, vm0, $0xb8;
	[tilespmem:$0xC180] =	vst v63  }
0x11f: {  	_ = 	snop  }
0x120: {  	[hbm4b:s3+s2] =	stream.indirect_vreg.scatter [tilespmem:s26], [sflag:$0x3], $0x80, v7, vm0, $0xb8;
	[tilespmem:$0xC180] =	vst v63  }
0x121: {  	v7 =	vld [tilespmem:$0x8130];
	_ =	sdelay $0x4  }
0x122: {  	v8 =	vshll.u32 v7, $0x1  }
0x123: {  	v7 =	vand.u32 $0x7, v7;
	v8 =	vand.u32 $0xFFFFFFF0, v8  }
0x124: {  	v7 =	vor.u32 v7, v8  }
0x125: {  	v8 =	vperm.xlane v7, v4;
	_ =	sdelay $0x1  }
0x126: {  	v7 =	vperm.xlane v7, v6;
	v8 =	vadd.s32 v5, v8;
	_ =	sdelay $0x1  }
0x127: {  	v7 =	vadd.s32 v5, v7;
	_ =	sdelay $0x1  }
0x128: {  	p0 =	sne.s32 s18, $0x1  }
0x129: {  	[hbm4b:s3+s2] =	stream.indirect_vreg.scatter [tilespmem:s28], [sflag:$0x3], $0x80, v8, vm0, $0xb8;
	[tilespmem:$0xC180] =	vst v63  }
.Ltmp0:
0x12a: {  	_ = 	snop;
	(pc) =	sbr.rel @p0 .LBB2_1-.Ltmp0, $4  }
0x12b: {  	[hbm4b:s3+s2] =	stream.indirect_vreg.scatter [tilespmem:s29], [sflag:$0x3], $0x80, v7, vm0, $0xb8;
	[tilespmem:$0xC180] =	vst v63  }
0x12c: {  	_ =	swait.ge [sflag:s1], $0x4000  }
0x12d: {  	[sflag:s1] =	ssyncset.done $0x0  }
0x12e: {  	s18 =	sadd.s32 $0xFFFFFFFF, s18;
	[sflag:s1] =	ssyncadd.s32 $0xFFFFC000  }
0x12f: {  	_ =	sfence.sel $0x180000  }
0x130: {  	[bflag:$0x0] =	sbarrier.arrive $0xFFFF  }
0x131: {  	_ =	strace $0x90000047  }
0x132: {  	s0 =	stileid.u32;
	[bflag:$0x2] =	sbarrier.arrive $0xFFFF  }
0x133: {  	p0 =	sne.s32 s0, $0x0;
	s0 =	rddreg [dreg:$0x1]  }
0x134: {  	s0 =	sadd.s32 @!p0 $0x100000, s0  }
0x135: {  	[sflag:s0] =	ssyncadd.tile.s32 @!p0 $0x1;
	_ =	shalt  }
.Lfunc_end2:
_tile_overlayer_lowered:
.L_overlay_start_2:
0x136: {  	(tag) =	ssettag $0x2  }
0x137: {  	s0 =	rddreg [dreg:$0x0];
	s2 =	stileid.u32  }
0x138: {  	s1 =	rddreg [dreg:$0x1];
	p0 =	sne.s32 s2, $0x0  }
0x139: {  	s3 =	rddreg [dreg:$0x2];
	[bflag:$0x3] =	sbarrier.arrive $0xFFFF;
	s2 =	simm.s32 @!p0 $0x1C04  }
0x13a: {  	[timem:s3], [sflag:s2] =	dma.local @!p0 [hbm:s0], s1  }
0x13b: {  	s0 =	simm.s32 @!p0 $0x4  }
0x13c: {  	_ =	swait.ge @!p0 [sflag:s0], s1  }
0x13d: {  	s1 =	ssub.s32 @!p0 $0x0, s1;
	[sflag:s0] =	ssyncset.done @!p0 $0x0  }
0x13e: {  	[sflag:s0] =	ssyncadd.s32 @!p0 s1  }
0x13f: {  	[bflag:$0x3] =	sbarrier.arrive $0xFFFF  }
0x140: {  	_ =	shalt  }

</sc_bundles>
